<compile_context>
chip_gen: v7x
topology: tpu7x:2x2x1
jax: 0.10.2.dev20260603
libtpu: 0.0.44.dev20260713+nightly
codegen_flags: <defaults>
</compile_context>

<pallas_src>
import functools

import jax
import jax.numpy as jnp
from jax import lax
from jax.experimental import pallas as pl
from jax.experimental.pallas import tpu as pltpu
from jax.experimental.pallas import tpu_sc as plsc

B = 4
N = 8192
NPOINT = 1024
NSAMPLE = 32
R2 = 0.4 ** 2
ATTN_D = 64
BIGF = 1e30

f32 = jnp.float32
i32 = jnp.int32


def _fps_body(xs_ref, ys_ref, zs_ref, idx_ref, nxyz_ref):
    xsv = xs_ref[...]
    ysv = ys_ref[...]
    zsv = zs_ref[...]
    s_io = lax.broadcasted_iota(i32, (B, 8, N // 8), 1)
    l_io = lax.broadcasted_iota(i32, (B, 8, N // 8), 2)
    pos = s_io * (N // 8) + l_io
    b_io = lax.broadcasted_iota(i32, (B, 8, NPOINT // 8), 0)
    a_s = lax.broadcasted_iota(i32, (B, 8, NPOINT // 8), 1)
    a_l = lax.broadcasted_iota(i32, (B, 8, NPOINT // 8), 2)
    zeros_a = jnp.zeros((B, 8, NPOINT // 8), f32)

    def red(x, op):
        return op(op(x, axis=2, keepdims=True), axis=1, keepdims=True)

    def body(i, carry):
        fa, dists, aidx, ax, ay, az = carry
        hit = pos == fa
        cx = red(jnp.where(hit, xsv, 0.0), jnp.sum)
        cy = red(jnp.where(hit, ysv, 0.0), jnp.sum)
        cz = red(jnp.where(hit, zsv, 0.0), jnp.sum)
        slot = (a_s == i // (NPOINT // 8)) & (a_l == i % (NPOINT // 8))
        aidx = jnp.where(slot, fa + b_io * N, aidx)
        ax = jnp.where(slot, cx, ax)
        ay = jnp.where(slot, cy, ay)
        az = jnp.where(slot, cz, az)
        d = (xsv - cx) ** 2 + (ysv - cy) ** 2 + (zsv - cz) ** 2
        dists = jnp.minimum(dists, d)
        m = red(dists, jnp.max)
        fa_next = red(jnp.where(dists == m, pos, N), jnp.min).astype(i32)
        return (fa_next, dists, aidx, ax, ay, az)

    carry = (jnp.zeros((B, 1, 1), i32), jnp.full((B, 8, N // 8), 1e10, f32),
             jnp.zeros((B, 8, NPOINT // 8), i32), zeros_a, zeros_a, zeros_a)
    _, _, aidx, ax, ay, az = lax.fori_loop(0, NPOINT, body, carry)
    idx_ref[...] = aidx
    nxyz_ref[0] = ax
    nxyz_ref[1] = ay
    nxyz_ref[2] = az


def _run_fps(xs, ys, zs):
    spec = pl.BlockSpec((B, 8, N // 8), lambda: (0, 0, 0))
    return pl.pallas_call(
        _fps_body,
        grid=(),
        in_specs=[spec, spec, spec],
        out_specs=[
            pl.BlockSpec((B, 8, NPOINT // 8), lambda: (0, 0, 0)),
            pl.BlockSpec((3, B, 8, NPOINT // 8), lambda: (0, 0, 0, 0)),
        ],
        out_shape=[
            jax.ShapeDtypeStruct((B, 8, NPOINT // 8), i32),
            jax.ShapeDtypeStruct((3, B, 8, NPOINT // 8), f32),
        ],
    )(xs, ys, zs)


def _g_body(ft_ref, xp_ref, w1f_ref, w1x_ref, b1_ref, g_ref):
    g = jnp.dot(ft_ref[...], w1f_ref[...], preferred_element_type=f32)
    g += jnp.dot(xp_ref[...], w1x_ref[...], preferred_element_type=f32)
    g_ref[...] = g + b1_ref[...]


def _run_g(featT, xyzp, w1fT, w1xT, b1r):
    blk = 512
    nb = (B * N) // blk
    return pl.pallas_call(
        _g_body,
        grid=(nb,),
        in_specs=[
            pl.BlockSpec((blk, 128), lambda m: (m, 0)),
            pl.BlockSpec((blk, 8), lambda m: (m, 0)),
            pl.BlockSpec((128, 128), lambda m: (0, 0)),
            pl.BlockSpec((8, 128), lambda m: (0, 0)),
            pl.BlockSpec((1, 128), lambda m: (0, 0)),
        ],
        out_specs=pl.BlockSpec((blk, 128), lambda m: (m, 0)),
        out_shape=jax.ShapeDtypeStruct((B * N, 128), f32),
    )(featT, xyzp, w1fT, w1xT, b1r)


_PQ = 256


def _bq_body(nxyz_ref, xs_ref, ys_ref, zs_ref, idx_ref, valid_ref, d2_s):
    b = pl.program_id(0)
    boff = b * N
    nx = nxyz_ref[0]
    xs = xs_ref[0]
    ys = ys_ref[0]
    zs = zs_ref[0]
    d2 = ((nx[:, 0:1] - xs) ** 2 + (nx[:, 1:2] - ys) ** 2
          + (nx[:, 2:3] - zs) ** 2)
    d2_s[...] = jnp.where(d2 < R2, d2, BIGF)
    lane = lax.broadcasted_iota(i32, (_PQ, N), 1)
    slot = lax.broadcasted_iota(i32, (_PQ, NSAMPLE), 1)

    def step(s, carry):
        aidx, avalid = carry
        dv = d2_s[...]
        m = jnp.min(dv, axis=1, keepdims=True)
        isel = jnp.min(jnp.where(dv == m, lane, N), axis=1,
                       keepdims=True)
        d2_s[...] = jnp.where(lane == isel, BIGF, dv)
        aidx = jnp.where(slot == s, isel + boff, aidx)
        avalid = jnp.where(slot == s, (m < 1e29).astype(f32), avalid)
        return (aidx, avalid)

    aidx, avalid = lax.fori_loop(
        0, NSAMPLE, step,
        (jnp.zeros((_PQ, NSAMPLE), i32), jnp.zeros((_PQ, NSAMPLE), f32)))
    idx_ref[0] = aidx
    valid_ref[0] = avalid


def _run_bq(nxyz_t, xs, ys, zs):
    coord = pl.BlockSpec((1, 1, N), lambda b, q: (b, 0, 0))
    return pl.pallas_call(
        _bq_body,
        grid=(B, NPOINT // _PQ),
        in_specs=[
            pl.BlockSpec((1, _PQ, 3), lambda b, q: (b, q, 0)),
            coord, coord, coord,
        ],
        out_specs=[
            pl.BlockSpec((1, _PQ, NSAMPLE), lambda b, q: (b, q, 0)),
            pl.BlockSpec((1, _PQ, NSAMPLE), lambda b, q: (b, q, 0)),
        ],
        out_shape=[
            jax.ShapeDtypeStruct((B, NPOINT, NSAMPLE), i32),
            jax.ShapeDtypeStruct((B, NPOINT, NSAMPLE), f32),
        ],
        scratch_shapes=[pltpu.VMEM((_PQ, N), f32)],
    )(nxyz_t, xs, ys, zs)


_NC, _NS = 2, 16
_NW = _NC * _NS
_CHUNK = 128


def _sc_gather(g_tab, feat_tab, idx_flat, fps_flat):
    n_big = idx_flat.shape[0]
    n_small = fps_flat.shape[0]
    big_per_w = n_big // _NW
    small_per_w = n_small // _NW
    big_chunks = big_per_w // _CHUNK

    mesh = plsc.VectorSubcoreMesh(core_axis_name="c", subcore_axis_name="s")

    @functools.partial(
        pl.kernel,
        out_type=(
            jax.ShapeDtypeStruct((n_big, 128), f32),
            jax.ShapeDtypeStruct((n_small, 128), f32),
        ),
        mesh=mesh,
        scratch_types=[
            pltpu.VMEM((_CHUNK,), i32),
            pltpu.VMEM((_CHUNK, 128), f32),
            pltpu.SemaphoreType.DMA,
        ],
    )
    def gather_k(g_hbm, f_hbm, idx_hbm, fps_hbm, big_out, small_out,
                 idx_v, rows_v, sem):
        wid = lax.axis_index("s") * _NC + lax.axis_index("c")

        def one_chunk(i, _):
            base = wid * big_per_w + i * _CHUNK
            pltpu.sync_copy(idx_hbm.at[pl.ds(base, _CHUNK)], idx_v)
            pltpu.async_copy(g_hbm.at[idx_v], rows_v, sem).wait()
            pltpu.sync_copy(rows_v, big_out.at[pl.ds(base, _CHUNK)])
            return 0

        lax.fori_loop(0, big_chunks, one_chunk, 0)

        sbase = wid * small_per_w
        pltpu.sync_copy(fps_hbm.at[pl.ds(sbase, small_per_w)], idx_v)
        pltpu.async_copy(f_hbm.at[idx_v], rows_v, sem).wait()
        pltpu.sync_copy(rows_v, small_out.at[pl.ds(sbase, small_per_w)])

    return gather_k(g_tab, feat_tab, idx_flat, fps_flat)


_PB = 32
_RB = _PB * NSAMPLE


def _mlp_body(hg_ref, valid_ref, fc_ref, nx_ref, w1x_ref, w2t_ref, b2_ref,
              w3t_ref, b3_ref, wqt_ref, wk_ref, nf_ref):
    nx = nx_ref[...]
    w1x = w1x_ref[...]
    ctr = (nx[:, 0:1] * w1x[0:1, :] + nx[:, 1:2] * w1x[1:2, :]
           + nx[:, 2:3] * w1x[2:3, :])
    r_io = lax.broadcasted_iota(i32, (_RB, _PB), 0) // NSAMPLE
    p_io = lax.broadcasted_iota(i32, (_RB, _PB), 1)
    sel = (r_io == p_io).astype(f32)
    ctr_rows = jnp.dot(sel, ctr, preferred_element_type=f32)
    h1 = jnp.maximum(hg_ref[...] - ctr_rows, 0.0)
    h2 = jnp.dot(h1, w2t_ref[...], preferred_element_type=f32) + b2_ref[...]
    h2 = jnp.maximum(h2, 0.0)
    out = jnp.dot(h2, w3t_ref[...], preferred_element_type=f32) + b3_ref[...]
    out = jnp.maximum(out, 0.0)

    q = jnp.dot(fc_ref[...], wqt_ref[...], preferred_element_type=f32)
    qk = jnp.dot(q, wk_ref[...], preferred_element_type=f32)
    m = lax.dot_general(qk, out, (((1,), (1,)), ((), ())),
                        preferred_element_type=f32)
    logits = m * (1.0 / (ATTN_D ** 0.5))
    c_io = lax.broadcasted_iota(i32, (_PB, _RB), 1) // NSAMPLE
    pr_io = lax.broadcasted_iota(i32, (_PB, _RB), 0)
    vrow = valid_ref[0]
    keep = (c_io == pr_io) & (vrow > 0.5)
    lm = jnp.where(keep, logits, -1e9)
    rmax = jnp.max(lm, axis=1, keepdims=True)
    e = jnp.exp(lm - rmax)
    e = jnp.where(lm > -1e8, e, 0.0)
    attn = e / jnp.sum(e, axis=1, keepdims=True)
    nf_ref[...] = jnp.dot(attn, out, preferred_element_type=f32)


def _run_mlp(hg, valid_r, fc, nxyz_f, w1xT, w2T, b2r, w3T, b3r, wqT, wk):
    nb = (B * NPOINT) // _PB
    return pl.pallas_call(
        _mlp_body,
        grid=(nb,),
        in_specs=[
            pl.BlockSpec((_RB, 128), lambda j: (j, 0)),
            pl.BlockSpec((1, 1, _RB), lambda j: (j, 0, 0)),
            pl.BlockSpec((_PB, 128), lambda j: (j, 0)),
            pl.BlockSpec((_PB, 3), lambda j: (j, 0)),
            pl.BlockSpec((3, 128), lambda j: (0, 0)),
            pl.BlockSpec((128, 256), lambda j: (0, 0)),
            pl.BlockSpec((1, 256), lambda j: (0, 0)),
            pl.BlockSpec((256, 512), lambda j: (0, 0)),
            pl.BlockSpec((1, 512), lambda j: (0, 0)),
            pl.BlockSpec((128, ATTN_D), lambda j: (0, 0)),
            pl.BlockSpec((ATTN_D, 512), lambda j: (0, 0)),
        ],
        out_specs=pl.BlockSpec((_PB, 512), lambda j: (j, 0)),
        out_shape=jax.ShapeDtypeStruct((B * NPOINT, 512), f32),
    )(hg, valid_r, fc, nxyz_f, w1xT, w2T, b2r, w3T, b3r, wqT, wk)


def kernel(xyz, features, W1, b1, W2, b2, W3, b3, Wq, Wk):
    xs = xyz[..., 0].reshape(B, 8, N // 8)
    ys = xyz[..., 1].reshape(B, 8, N // 8)
    zs = xyz[..., 2].reshape(B, 8, N // 8)

    fps_flat, nxyz = _run_fps(xs, ys, zs)
    new_xyz = jnp.transpose(nxyz.reshape(3, B, NPOINT), (1, 2, 0))

    featT = jnp.transpose(features, (0, 2, 1)).reshape(B * N, 128)
    xyzp = jnp.concatenate(
        [xyz.reshape(B * N, 3), jnp.zeros((B * N, 5), f32)], axis=1)
    w1fT = W1[:, 3:].T
    w1xT_pad = jnp.concatenate([W1[:, :3].T, jnp.zeros((5, 128), f32)], axis=0)
    g_tab = _run_g(featT, xyzp, w1fT, w1xT_pad, b1.reshape(1, 128))

    xr = xyz[..., 0].reshape(B, 1, N)
    yr = xyz[..., 1].reshape(B, 1, N)
    zr = xyz[..., 2].reshape(B, 1, N)
    idx, valid = _run_bq(new_xyz, xr, yr, zr)

    hg, fc = _sc_gather(g_tab, featT, idx.reshape(-1),
                        fps_flat.reshape(-1))

    nf = _run_mlp(
        hg, valid.reshape((B * NPOINT) // _PB, 1, _RB),
        fc, new_xyz.reshape(B * NPOINT, 3),
        W1[:, :3].T, W2.T, b2.reshape(1, 256), W3.T, b3.reshape(1, 512),
        Wq.T, Wk)

    new_features = jnp.transpose(nf.reshape(B, NPOINT, 512), (0, 2, 1))
    return (new_xyz, new_features)

# --- scband reference (transcript-rebuilt; emitter-appended) ---
"""Pipeline reference for scband-pointnet-samodule-base-84035330113841 (READ-ONLY COPY).

The authoritative reference and input builder live on the scoring server;
editing this copy changes nothing except your own understanding.
"""

import jax, jax.numpy as jnp
import numpy as np

NPOINT = 1024
NSAMPLE = 32
RADIUS = 0.4
ATTN_D = 64


def _fps(xyz, npoint):
    B, N, _ = xyz.shape
    def body(i, state):
        idxs, dists, farthest = state
        idxs = idxs.at[:, i].set(farthest)
        centroid = jnp.take_along_axis(xyz, farthest[:, None, None], axis=1)
        d = jnp.sum((xyz - centroid) ** 2, axis=-1)
        dists = jnp.minimum(dists, d)
        farthest = jnp.argmax(dists, axis=-1).astype(jnp.int32)
        return (idxs, dists, farthest)
    idxs = jnp.zeros((B, npoint), dtype=jnp.int32)
    dists = jnp.full((B, N), 1e10, dtype=xyz.dtype)
    farthest = jnp.zeros((B,), dtype=jnp.int32)
    idxs, _, _ = jax.lax.fori_loop(0, npoint, body, (idxs, dists, farthest))
    return idxs


def setup_inputs(seed: int = 0):
    key = jax.random.key(seed)
    ks = jax.random.split(key, 8)
    B, N, C = 4, 8192, 128
    xyz = jax.random.uniform(ks[0], (B, N, 3), dtype=jnp.float32)
    features = jax.random.normal(ks[1], (B, C, N), dtype=jnp.float32)
    W1 = jax.random.normal(ks[2], (128, C + 3), dtype=jnp.float32) * 0.05
    b1 = jnp.zeros((128,), jnp.float32)
    W2 = jax.random.normal(ks[3], (256, 128), dtype=jnp.float32) * 0.05
    b2 = jnp.zeros((256,), jnp.float32)
    W3 = jax.random.normal(ks[4], (512, 256), dtype=jnp.float32) * 0.05
    b3 = jnp.zeros((512,), jnp.float32)
    Wq = jax.random.normal(ks[5], (ATTN_D, C), dtype=jnp.float32) * 0.05
    Wk = jax.random.normal(ks[6], (ATTN_D, 512), dtype=jnp.float32) * 0.05
    return {"xyz": xyz, "features": features, "W1": W1, "b1": b1, "W2": W2, "b2": b2, "W3": W3, "b3": b3, "Wq": Wq, "Wk": Wk}


def reference(xyz, features, W1, b1, W2, b2, W3, b3, Wq, Wk):
    B, N, _ = xyz.shape
    C = features.shape[1]
    # furthest point sampling (kNN/FPS centroid selection)
    fps_idx = _fps(xyz, NPOINT)  # (B, npoint) int32
    # gather_operation on xyz and features
    new_xyz = jnp.take_along_axis(xyz, fps_idx[:, :, None], axis=1)  # (B, npoint, 3)
    new_xyz_feat = jnp.take_along_axis(features, fps_idx[:, None, :], axis=2)  # (B, C, npoint)
    # ball query grouper (QueryAndGroup with return_counts=True)
    d2 = jnp.sum((new_xyz[:, :, None, :] - xyz[:, None, :, :]) ** 2, axis=-1)  # (B, npoint, N)
    within = d2 < RADIUS ** 2
    masked = jnp.where(within, d2, jnp.inf)
    order = jnp.argsort(masked, axis=-1)[:, :, :NSAMPLE].astype(jnp.int32)  # (B, npoint, nsample)
    valid = jnp.take_along_axis(within, order, axis=-1)  # (B, npoint, nsample)
    count = jnp.sum(valid, axis=-1)  # (B, npoint)
    idx = jnp.where(valid, order, order[:, :, 0:1])  # pad invalid slots with first neighbor
    flat = idx.reshape(B, -1)
    g_xyz = jnp.take_along_axis(xyz, flat[:, :, None], axis=1).reshape(B, NPOINT, NSAMPLE, 3)
    rel = (g_xyz - new_xyz[:, :, None, :]).transpose(0, 3, 1, 2)  # (B, 3, npoint, nsample)
    g_feat = jnp.take_along_axis(features, flat[:, None, :], axis=2).reshape(B, C, NPOINT, NSAMPLE)
    grouped = jnp.concatenate([rel, g_feat], axis=1)  # (B, C+3, npoint, nsample)
    # shared MLP (1x1 convs + ReLU)
    h = jax.nn.relu(jnp.einsum('oc,bcps->bops', W1, grouped) + b1[None, :, None, None])
    h = jax.nn.relu(jnp.einsum('oc,bcps->bops', W2, h) + b2[None, :, None, None])
    out = jax.nn.relu(jnp.einsum('oc,bcps->bops', W3, h) + b3[None, :, None, None])  # (B, 512, npoint, nsample)
    # attention aggregation over neighbors, masked by counts
    q = jnp.einsum('dc,bcp->bdp', Wq, new_xyz_feat)
    k = jnp.einsum('do,bops->bdps', Wk, out)
    logits = jnp.einsum('bdp,bdps->bps', q, k) / jnp.sqrt(jnp.float32(ATTN_D))
    logits = jnp.where(valid, logits, -1e9)
    attn = jax.nn.softmax(logits, axis=-1)
    new_features = jnp.einsum('bps,bops->bop', attn, out)  # (B, 512, npoint)
    return (new_xyz, new_features)

if __name__ == "__main__":
    import jax
    _d = setup_inputs()
    print(jax.jit(kernel)(*tuple(_d.values())))

</pallas_src>

<mosaic_0001>
#map = affine_map<(d0, d1) -> (0, 0)>
#map1 = affine_map<(d0, d1) -> (0)>
module attributes {stable_mosaic.version = 14 : i64} {
  func.func @gather_k(%arg0: i32, %arg1: i32, %arg2: memref<32768x128xf32, #tpu.memory_space<hbm>>, %arg3: memref<32768x128xf32, #tpu.memory_space<hbm>>, %arg4: memref<131072xi32, #tpu.memory_space<hbm>>, %arg5: memref<4096xi32, #tpu.memory_space<hbm>>, %arg6: memref<131072x128xf32, #tpu.memory_space<hbm>>, %arg7: memref<4096x128xf32, #tpu.memory_space<hbm>>, %arg8: memref<128xi32, #tpu.memory_space<vmem>>, %arg9: memref<128x128xf32, #tpu.memory_space<vmem>>, %arg10: memref<!tpu.dma_semaphore, #tpu.memory_space<semaphore_mem>>) attributes {dimension_semantics = [#tpu.dimension_semantics<core_parallel>, #tpu.dimension_semantics<subcore_parallel>], iteration_bounds = array<i64: 2, 16>, scalar_prefetch = 0 : i64, scratch_operands = 3 : i64, tpu.core_type = #tpu.core_type<sc_vector_subcore>, window_params = [{transform_indices = #map}, {transform_indices = #map}, {transform_indices = #map1}, {transform_indices = #map1}, {transform_indices = #map}, {transform_indices = #map}]} {
    %mul3A = arith.constant 2 : i32
    %mul3A_0 = arith.muli %arg1, %mul3A : i32
    %add3A = arith.addi %mul3A_0, %arg0 : i32
    %scan3A = arith.constant 0 : i32
    %scan3A_1 = arith.constant 0 : i32
    %scan3A_2 = arith.constant 32 : i32
    %scan3A_3 = arith.addi %scan3A_1, %scan3A_2 : i32
    %scan3A_4 = arith.constant 1 : i32
    %scan3A_5 = scf.for %scan3A_13 = %scan3A_1 to %scan3A_3 step %scan3A_4 iter_args(%scan3A_14 = %scan3A) -> (i32)  : i32 {
      %mul3A_15 = arith.constant 4096 : i32
      %mul3A_16 = arith.muli %add3A, %mul3A_15 : i32
      %mul3A_17 = arith.constant 128 : i32
      %mul3A_18 = arith.muli %scan3A_13, %mul3A_17 : i32
      %add3A_19 = arith.addi %mul3A_16, %mul3A_18 : i32
      "tpu.region"() ({
        %run_scoped3A = tpu.sem_alloc : memref<!tpu.dma_semaphore, #tpu.memory_space<semaphore_mem>>
        %dma_start3A_27 = tpu.memref_slice %arg4[%add3A_19] : memref<131072xi32, #tpu.memory_space<hbm>> -> memref<128xi32, #tpu.memory_space<hbm>>
        %dma_start3A_28 = tpu.memref_slice %arg4[%add3A_19] : memref<131072xi32, #tpu.memory_space<hbm>> -> memref<128xi32, #tpu.memory_space<hbm>>
        tpu.enqueue_dma source(%dma_start3A_28 : memref<128xi32, #tpu.memory_space<hbm>>) target(%arg8 : memref<128xi32, #tpu.memory_space<vmem>>) target_semaphore(%run_scoped3A : memref<!tpu.dma_semaphore, #tpu.memory_space<semaphore_mem>>)
        %dma_wait3A_29 = tpu.memref_slice %arg4[%add3A_19] : memref<131072xi32, #tpu.memory_space<hbm>> -> memref<128xi32, #tpu.memory_space<hbm>>
        %dma_wait3A_30 = tpu.memref_slice %arg4[%add3A_19] : memref<131072xi32, #tpu.memory_space<hbm>> -> memref<128xi32, #tpu.memory_space<hbm>>
        tpu.wait_dma2 semaphore(%run_scoped3A : memref<!tpu.dma_semaphore, #tpu.memory_space<semaphore_mem>>) src(%dma_wait3A_30 : memref<128xi32, #tpu.memory_space<hbm>>) dst(%arg8 : memref<128xi32, #tpu.memory_space<vmem>>)
        tpu.yield
      }) : () -> ()
      %dma_start3A_20 = arith.constant 0 : i32
      %dma_start3A_21 = arith.constant 0 : i32
      %dma_start3A_22 = tpu.memref_slice %arg2[%dma_start3A_20, %dma_start3A_21] : memref<32768x128xf32, #tpu.memory_space<hbm>> -> memref<32768x128xf32, #tpu.memory_space<hbm>>
      tpu.enqueue_indirect_dma source(%dma_start3A_22 : memref<32768x128xf32, #tpu.memory_space<hbm>>) target(%arg9 : memref<128x128xf32, #tpu.memory_space<vmem>>) offsets(%arg8 : memref<128xi32, #tpu.memory_space<vmem>>) semaphore(%arg10 : memref<!tpu.dma_semaphore, #tpu.memory_space<semaphore_mem>>)
      %dma_wait3A_23 = arith.constant 0 : i32
      %dma_wait3A_24 = arith.constant 0 : i32
      %dma_wait3A_25 = tpu.memref_slice %arg2[%dma_wait3A_23, %dma_wait3A_24] : memref<32768x128xf32, #tpu.memory_space<hbm>> -> memref<32768x128xf32, #tpu.memory_space<hbm>>
      tpu.wait_indirect_dma semaphore(%arg10 : memref<!tpu.dma_semaphore, #tpu.memory_space<semaphore_mem>>) src(%dma_wait3A_25 : memref<32768x128xf32, #tpu.memory_space<hbm>>) dst(%arg9 : memref<128x128xf32, #tpu.memory_space<vmem>>)
      "tpu.region"() ({
        %run_scoped3A = tpu.sem_alloc : memref<!tpu.dma_semaphore, #tpu.memory_space<semaphore_mem>>
        %dma_start3A_27 = arith.constant 0 : i32
        %dma_start3A_28 = tpu.memref_slice %arg6[%add3A_19, %dma_start3A_27] : memref<131072x128xf32, #tpu.memory_space<hbm>> -> memref<128x128xf32, #tpu.memory_space<hbm>>
        %dma_start3A_29 = arith.constant 0 : i32
        %dma_start3A_30 = tpu.memref_slice %arg6[%add3A_19, %dma_start3A_29] : memref<131072x128xf32, #tpu.memory_space<hbm>> -> memref<128x128xf32, #tpu.memory_space<hbm>>
        tpu.enqueue_dma source(%arg9 : memref<128x128xf32, #tpu.memory_space<vmem>>) target(%dma_start3A_30 : memref<128x128xf32, #tpu.memory_space<hbm>>) target_semaphore(%run_scoped3A : memref<!tpu.dma_semaphore, #tpu.memory_space<semaphore_mem>>)
        %dma_wait3A_31 = arith.constant 0 : i32
        %dma_wait3A_32 = tpu.memref_slice %arg6[%add3A_19, %dma_wait3A_31] : memref<131072x128xf32, #tpu.memory_space<hbm>> -> memref<128x128xf32, #tpu.memory_space<hbm>>
        %dma_wait3A_33 = arith.constant 0 : i32
        %dma_wait3A_34 = tpu.memref_slice %arg6[%add3A_19, %dma_wait3A_33] : memref<131072x128xf32, #tpu.memory_space<hbm>> -> memref<128x128xf32, #tpu.memory_space<hbm>>
        tpu.wait_dma2 semaphore(%run_scoped3A : memref<!tpu.dma_semaphore, #tpu.memory_space<semaphore_mem>>) src(%arg9 : memref<128x128xf32, #tpu.memory_space<vmem>>) dst(%dma_wait3A_34 : memref<128x128xf32, #tpu.memory_space<hbm>>)
        tpu.yield
      }) : () -> ()
      %scan3A_26 = arith.constant 0 : i32
      scf.yield %scan3A_26 : i32
    }
    %scan3A_6 = arith.constant 32 : i32
    %mul3A_7 = arith.constant 128 : i32
    %mul3A_8 = arith.muli %add3A, %mul3A_7 : i32
    "tpu.region"() ({
      %run_scoped3A = tpu.sem_alloc : memref<!tpu.dma_semaphore, #tpu.memory_space<semaphore_mem>>
      %dma_start3A_13 = tpu.memref_slice %arg5[%mul3A_8] : memref<4096xi32, #tpu.memory_space<hbm>> -> memref<128xi32, #tpu.memory_space<hbm>>
      %dma_start3A_14 = tpu.memref_slice %arg5[%mul3A_8] : memref<4096xi32, #tpu.memory_space<hbm>> -> memref<128xi32, #tpu.memory_space<hbm>>
      tpu.enqueue_dma source(%dma_start3A_14 : memref<128xi32, #tpu.memory_space<hbm>>) target(%arg8 : memref<128xi32, #tpu.memory_space<vmem>>) target_semaphore(%run_scoped3A : memref<!tpu.dma_semaphore, #tpu.memory_space<semaphore_mem>>)
      %dma_wait3A_15 = tpu.memref_slice %arg5[%mul3A_8] : memref<4096xi32, #tpu.memory_space<hbm>> -> memref<128xi32, #tpu.memory_space<hbm>>
      %dma_wait3A_16 = tpu.memref_slice %arg5[%mul3A_8] : memref<4096xi32, #tpu.memory_space<hbm>> -> memref<128xi32, #tpu.memory_space<hbm>>
      tpu.wait_dma2 semaphore(%run_scoped3A : memref<!tpu.dma_semaphore, #tpu.memory_space<semaphore_mem>>) src(%dma_wait3A_16 : memref<128xi32, #tpu.memory_space<hbm>>) dst(%arg8 : memref<128xi32, #tpu.memory_space<vmem>>)
      tpu.yield
    }) : () -> ()
    %dma_start3A = arith.constant 0 : i32
    %dma_start3A_9 = arith.constant 0 : i32
    %dma_start3A_10 = tpu.memref_slice %arg3[%dma_start3A, %dma_start3A_9] : memref<32768x128xf32, #tpu.memory_space<hbm>> -> memref<32768x128xf32, #tpu.memory_space<hbm>>
    tpu.enqueue_indirect_dma source(%dma_start3A_10 : memref<32768x128xf32, #tpu.memory_space<hbm>>) target(%arg9 : memref<128x128xf32, #tpu.memory_space<vmem>>) offsets(%arg8 : memref<128xi32, #tpu.memory_space<vmem>>) semaphore(%arg10 : memref<!tpu.dma_semaphore, #tpu.memory_space<semaphore_mem>>)
    %dma_wait3A = arith.constant 0 : i32
    %dma_wait3A_11 = arith.constant 0 : i32
    %dma_wait3A_12 = tpu.memref_slice %arg3[%dma_wait3A, %dma_wait3A_11] : memref<32768x128xf32, #tpu.memory_space<hbm>> -> memref<32768x128xf32, #tpu.memory_space<hbm>>
    tpu.wait_indirect_dma semaphore(%arg10 : memref<!tpu.dma_semaphore, #tpu.memory_space<semaphore_mem>>) src(%dma_wait3A_12 : memref<32768x128xf32, #tpu.memory_space<hbm>>) dst(%arg9 : memref<128x128xf32, #tpu.memory_space<vmem>>)
    "tpu.region"() ({
      %run_scoped3A = tpu.sem_alloc : memref<!tpu.dma_semaphore, #tpu.memory_space<semaphore_mem>>
      %dma_start3A_13 = arith.constant 0 : i32
      %dma_start3A_14 = tpu.memref_slice %arg7[%mul3A_8, %dma_start3A_13] : memref<4096x128xf32, #tpu.memory_space<hbm>> -> memref<128x128xf32, #tpu.memory_space<hbm>>
      %dma_start3A_15 = arith.constant 0 : i32
      %dma_start3A_16 = tpu.memref_slice %arg7[%mul3A_8, %dma_start3A_15] : memref<4096x128xf32, #tpu.memory_space<hbm>> -> memref<128x128xf32, #tpu.memory_space<hbm>>
      tpu.enqueue_dma source(%arg9 : memref<128x128xf32, #tpu.memory_space<vmem>>) target(%dma_start3A_16 : memref<128x128xf32, #tpu.memory_space<hbm>>) target_semaphore(%run_scoped3A : memref<!tpu.dma_semaphore, #tpu.memory_space<semaphore_mem>>)
      %dma_wait3A_17 = arith.constant 0 : i32
      %dma_wait3A_18 = tpu.memref_slice %arg7[%mul3A_8, %dma_wait3A_17] : memref<4096x128xf32, #tpu.memory_space<hbm>> -> memref<128x128xf32, #tpu.memory_space<hbm>>
      %dma_wait3A_19 = arith.constant 0 : i32
      %dma_wait3A_20 = tpu.memref_slice %arg7[%mul3A_8, %dma_wait3A_19] : memref<4096x128xf32, #tpu.memory_space<hbm>> -> memref<128x128xf32, #tpu.memory_space<hbm>>
      tpu.wait_dma2 semaphore(%run_scoped3A : memref<!tpu.dma_semaphore, #tpu.memory_space<semaphore_mem>>) src(%arg9 : memref<128x128xf32, #tpu.memory_space<vmem>>) dst(%dma_wait3A_20 : memref<128x128xf32, #tpu.memory_space<hbm>>)
      tpu.yield
    }) : () -> ()
    return
  }
}

module attributes {stable_mosaic.version = 14 : i64} {
  func.func @_fps_body(%arg0: memref<4x8x1024xf32, #tpu.memory_space<vmem>>, %arg1: memref<4x8x1024xf32, #tpu.memory_space<vmem>>, %arg2: memref<4x8x1024xf32, #tpu.memory_space<vmem>>, %arg3: memref<4x8x128xi32, #tpu.memory_space<vmem>>, %arg4: memref<3x4x8x128xf32, #tpu.memory_space<vmem>>) attributes {dimension_semantics = [], scalar_prefetch = 0 : i64, scratch_operands = 0 : i64, tpu.core_type = #tpu.core_type<tc>} {
    %get3A = arith.constant 0 : index
    %get3A_0 = arith.constant 0 : index
    %get3A_1 = arith.constant 0 : index
    %get3A_2 = vector.load %arg0[%get3A, %get3A_0, %get3A_1] : memref<4x8x1024xf32, #tpu.memory_space<vmem>>, vector<4x8x1024xf32>
    %get3A_3 = arith.constant 0 : index
    %get3A_4 = arith.constant 0 : index
    %get3A_5 = arith.constant 0 : index
    %get3A_6 = vector.load %arg1[%get3A_3, %get3A_4, %get3A_5] : memref<4x8x1024xf32, #tpu.memory_space<vmem>>, vector<4x8x1024xf32>
    %get3A_7 = arith.constant 0 : index
    %get3A_8 = arith.constant 0 : index
    %get3A_9 = arith.constant 0 : index
    %get3A_10 = vector.load %arg2[%get3A_7, %get3A_8, %get3A_9] : memref<4x8x1024xf32, #tpu.memory_space<vmem>>, vector<4x8x1024xf32>
    %iota3A = tpu.iota {dimensions = array<i32: 1>} : vector<4x8x1024xi32>
    %iota3A_11 = tpu.iota {dimensions = array<i32: 2>} : vector<4x8x1024xi32>
    %mul3A = arith.constant 1024 : i32
    %mul3A_12 = vector.broadcast %mul3A : i32 to vector<4x8x1024xi32>
    %mul3A_13 = arith.muli %iota3A, %mul3A_12 : vector<4x8x1024xi32>
    %add3A = arith.addi %mul3A_13, %iota3A_11 : vector<4x8x1024xi32>
    %iota3A_14 = tpu.iota {dimensions = array<i32: 0>} : vector<4x8x128xi32>
    %iota3A_15 = tpu.iota {dimensions = array<i32: 1>} : vector<4x8x128xi32>
    %iota3A_16 = tpu.iota {dimensions = array<i32: 2>} : vector<4x8x128xi32>
    %broadcast_in_dim3A = arith.constant 0.000000e+00 : f32
    %broadcast_in_dim3A_17 = vector.broadcast %broadcast_in_dim3A : f32 to vector<4x8x128xf32>
    %broadcast_in_dim3A_18 = arith.constant 0 : i32
    %broadcast_in_dim3A_19 = vector.broadcast %broadcast_in_dim3A_18 : i32 to vector<4x1x1xi32>
    %broadcast_in_dim3A_20 = arith.constant 1.000000e+10 : f32
    %broadcast_in_dim3A_21 = vector.broadcast %broadcast_in_dim3A_20 : f32 to vector<4x8x1024xf32>
    %broadcast_in_dim3A_22 = arith.constant 0 : i32
    %broadcast_in_dim3A_23 = vector.broadcast %broadcast_in_dim3A_22 : i32 to vector<4x8x128xi32>
    %scan3A = arith.constant 0 : i32
    %scan3A_24 = arith.constant 1024 : i32
    %scan3A_25 = arith.addi %scan3A, %scan3A_24 : i32
    %scan3A_26 = arith.constant 1 : i32
    %scan3A_27:6 = scf.for %scan3A_53 = %scan3A to %scan3A_25 step %scan3A_26 iter_args(%scan3A_54 = %broadcast_in_dim3A_19, %scan3A_55 = %broadcast_in_dim3A_21, %scan3A_56 = %broadcast_in_dim3A_23, %scan3A_57 = %broadcast_in_dim3A_17, %scan3A_58 = %broadcast_in_dim3A_17, %scan3A_59 = %broadcast_in_dim3A_17) -> (vector<4x1x1xi32>, vector<4x8x1024xf32>, vector<4x8x128xi32>, vector<4x8x128xf32>, vector<4x8x128xf32>, vector<4x8x128xf32>)  : i32 {
      %eq3A = vector.broadcast %scan3A_54 : vector<4x1x1xi32> to vector<4x8x1024xi32>
      %eq3A_60 = arith.cmpi eq, %add3A, %eq3A : vector<4x8x1024xi32>
      %jit3A = arith.constant 0.000000e+00 : f32
      %broadcast_in_dim3A_61 = vector.broadcast %jit3A : f32 to vector<4x8x1024xf32>
      %select_n3A = arith.select %eq3A_60, %get3A_2, %broadcast_in_dim3A_61 : vector<4x8x1024xi1>, vector<4x8x1024xf32>
      %reduce_sum3A = arith.constant dense<0.000000e+00> : vector<4x8xf32>
      %reduce_sum3A_62 = vector.multi_reduction <add>, %select_n3A, %reduce_sum3A [2] : vector<4x8x1024xf32> to vector<4x8xf32>
      %broadcast_in_dim3A_63 = vector.shape_cast %reduce_sum3A_62 : vector<4x8xf32> to vector<4x8x1xf32>
      %reduce_sum3A_64 = arith.constant dense<0.000000e+00> : vector<4x1xf32>
      %reduce_sum3A_65 = vector.multi_reduction <add>, %broadcast_in_dim3A_63, %reduce_sum3A_64 [1] : vector<4x8x1xf32> to vector<4x1xf32>
      %broadcast_in_dim3A_66 = vector.shape_cast %reduce_sum3A_65 : vector<4x1xf32> to vector<4x1x1xf32>
      %jit3A_67 = arith.constant 0.000000e+00 : f32
      %broadcast_in_dim3A_68 = vector.broadcast %jit3A_67 : f32 to vector<4x8x1024xf32>
      %select_n3A_69 = arith.select %eq3A_60, %get3A_6, %broadcast_in_dim3A_68 : vector<4x8x1024xi1>, vector<4x8x1024xf32>
      %reduce_sum3A_70 = arith.constant dense<0.000000e+00> : vector<4x8xf32>
      %reduce_sum3A_71 = vector.multi_reduction <add>, %select_n3A_69, %reduce_sum3A_70 [2] : vector<4x8x1024xf32> to vector<4x8xf32>
      %broadcast_in_dim3A_72 = vector.shape_cast %reduce_sum3A_71 : vector<4x8xf32> to vector<4x8x1xf32>
      %reduce_sum3A_73 = arith.constant dense<0.000000e+00> : vector<4x1xf32>
      %reduce_sum3A_74 = vector.multi_reduction <add>, %broadcast_in_dim3A_72, %reduce_sum3A_73 [1] : vector<4x8x1xf32> to vector<4x1xf32>
      %broadcast_in_dim3A_75 = vector.shape_cast %reduce_sum3A_74 : vector<4x1xf32> to vector<4x1x1xf32>
      %jit3A_76 = arith.constant 0.000000e+00 : f32
      %broadcast_in_dim3A_77 = vector.broadcast %jit3A_76 : f32 to vector<4x8x1024xf32>
      %select_n3A_78 = arith.select %eq3A_60, %get3A_10, %broadcast_in_dim3A_77 : vector<4x8x1024xi1>, vector<4x8x1024xf32>
      %reduce_sum3A_79 = arith.constant dense<0.000000e+00> : vector<4x8xf32>
      %reduce_sum3A_80 = vector.multi_reduction <add>, %select_n3A_78, %reduce_sum3A_79 [2] : vector<4x8x1024xf32> to vector<4x8xf32>
      %broadcast_in_dim3A_81 = vector.shape_cast %reduce_sum3A_80 : vector<4x8xf32> to vector<4x8x1xf32>
      %reduce_sum3A_82 = arith.constant dense<0.000000e+00> : vector<4x1xf32>
      %reduce_sum3A_83 = vector.multi_reduction <add>, %broadcast_in_dim3A_81, %reduce_sum3A_82 [1] : vector<4x8x1xf32> to vector<4x1xf32>
      %broadcast_in_dim3A_84 = vector.shape_cast %reduce_sum3A_83 : vector<4x1xf32> to vector<4x1x1xf32>
      %jit3A_85 = arith.constant 128 : i32
      %div3A = arith.divsi %scan3A_53, %jit3A_85 : i32
      %sign3A = arith.constant 0 : i32
      %sign3A_86 = arith.cmpi sgt, %scan3A_53, %sign3A : i32
      %sign3A_87 = arith.extui %sign3A_86 : i1 to i32
      %sign3A_88 = arith.constant 0 : i32
      %sign3A_89 = arith.cmpi slt, %scan3A_53, %sign3A_88 : i32
      %sign3A_90 = arith.extui %sign3A_89 : i1 to i32
      %sign3A_91 = arith.subi %sign3A_87, %sign3A_90 : i32
      %sign3A_92 = arith.constant 0 : i32
      %sign3A_93 = arith.cmpi sgt, %jit3A_85, %sign3A_92 : i32
      %sign3A_94 = arith.extui %sign3A_93 : i1 to i32
      %sign3A_95 = arith.constant 0 : i32
      %sign3A_96 = arith.cmpi slt, %jit3A_85, %sign3A_95 : i32
      %sign3A_97 = arith.extui %sign3A_96 : i1 to i32
      %sign3A_98 = arith.subi %sign3A_94, %sign3A_97 : i32
      %ne3A = arith.cmpi ne, %sign3A_91, %sign3A_98 : i32
      %rem3A = arith.remsi %scan3A_53, %jit3A_85 : i32
      %ne3A_99 = arith.constant 0 : i32
      %ne3A_100 = arith.cmpi ne, %rem3A, %ne3A_99 : i32
      %and3A = arith.andi %ne3A, %ne3A_100 : i1
      %sub3A = arith.constant 1 : i32
      %sub3A_101 = arith.subi %div3A, %sub3A : i32
      %select_n3A_102 = arith.select %and3A, %sub3A_101, %div3A : i32
      %eq3A_103 = vector.broadcast %select_n3A_102 : i32 to vector<4x8x128xi32>
      %eq3A_104 = arith.cmpi eq, %iota3A_15, %eq3A_103 : vector<4x8x128xi32>
      %jit3A_105 = arith.constant 128 : i32
      %eq3A_106 = arith.constant 0 : i32
      %eq3A_107 = arith.cmpi eq, %jit3A_105, %eq3A_106 : i32
      %jit3A_108 = arith.constant 1 : i32
      %select_n3A_109 = arith.select %eq3A_107, %jit3A_108, %jit3A_105 : i32
      %rem3A_110 = arith.remsi %scan3A_53, %select_n3A_109 : i32
      %ne3A_111 = arith.constant 0 : i32
      %ne3A_112 = arith.cmpi ne, %rem3A_110, %ne3A_111 : i32
      %lt3A = arith.constant 0 : i32
      %lt3A_113 = arith.cmpi slt, %rem3A_110, %lt3A : i32
      %lt3A_114 = arith.constant 0 : i32
      %lt3A_115 = arith.cmpi slt, %select_n3A_109, %lt3A_114 : i32
      %ne3A_116 = arith.xori %lt3A_113, %lt3A_115 : i1
      %and3A_117 = arith.andi %ne3A_116, %ne3A_112 : i1
      %add3A_118 = arith.addi %rem3A_110, %select_n3A_109 : i32
      %select_n3A_119 = arith.select %and3A_117, %add3A_118, %rem3A_110 : i32
      %eq3A_120 = vector.broadcast %select_n3A_119 : i32 to vector<4x8x128xi32>
      %eq3A_121 = arith.cmpi eq, %iota3A_16, %eq3A_120 : vector<4x8x128xi32>
      %and3A_122 = arith.andi %eq3A_104, %eq3A_121 : vector<4x8x128xi1>
      %mul3A_123 = arith.constant 8192 : i32
      %mul3A_124 = vector.broadcast %mul3A_123 : i32 to vector<4x8x128xi32>
      %mul3A_125 = arith.muli %iota3A_14, %mul3A_124 : vector<4x8x128xi32>
      %add3A_126 = vector.broadcast %scan3A_54 : vector<4x1x1xi32> to vector<4x8x128xi32>
      %add3A_127 = arith.addi %add3A_126, %mul3A_125 : vector<4x8x128xi32>
      %select_n3A_128 = arith.select %and3A_122, %add3A_127, %scan3A_56 : vector<4x8x128xi1>, vector<4x8x128xi32>
      %broadcast_in_dim3A_129 = vector.shape_cast %broadcast_in_dim3A_66 : vector<4x1x1xf32> to vector<4x1x1xf32>
      %broadcast_in_dim3A_130 = vector.broadcast %broadcast_in_dim3A_129 : vector<4x1x1xf32> to vector<4x8x128xf32>
      %select_n3A_131 = arith.select %and3A_122, %broadcast_in_dim3A_130, %scan3A_57 : vector<4x8x128xi1>, vector<4x8x128xf32>
      %broadcast_in_dim3A_132 = vector.shape_cast %broadcast_in_dim3A_75 : vector<4x1x1xf32> to vector<4x1x1xf32>
      %broadcast_in_dim3A_133 = vector.broadcast %broadcast_in_dim3A_132 : vector<4x1x1xf32> to vector<4x8x128xf32>
      %select_n3A_134 = arith.select %and3A_122, %broadcast_in_dim3A_133, %scan3A_58 : vector<4x8x128xi1>, vector<4x8x128xf32>
      %broadcast_in_dim3A_135 = vector.shape_cast %broadcast_in_dim3A_84 : vector<4x1x1xf32> to vector<4x1x1xf32>
      %broadcast_in_dim3A_136 = vector.broadcast %broadcast_in_dim3A_135 : vector<4x1x1xf32> to vector<4x8x128xf32>
      %select_n3A_137 = arith.select %and3A_122, %broadcast_in_dim3A_136, %scan3A_59 : vector<4x8x128xi1>, vector<4x8x128xf32>
      %sub3A_138 = vector.broadcast %broadcast_in_dim3A_66 : vector<4x1x1xf32> to vector<4x8x1024xf32>
      %sub3A_139 = arith.subf %get3A_2, %sub3A_138 : vector<4x8x1024xf32>
      %integer_pow3A = arith.mulf %sub3A_139, %sub3A_139 : vector<4x8x1024xf32>
      %sub3A_140 = vector.broadcast %broadcast_in_dim3A_75 : vector<4x1x1xf32> to vector<4x8x1024xf32>
      %sub3A_141 = arith.subf %get3A_6, %sub3A_140 : vector<4x8x1024xf32>
      %integer_pow3A_142 = arith.mulf %sub3A_141, %sub3A_141 : vector<4x8x1024xf32>
      %add3A_143 = arith.addf %integer_pow3A, %integer_pow3A_142 : vector<4x8x1024xf32>
      %sub3A_144 = vector.broadcast %broadcast_in_dim3A_84 : vector<4x1x1xf32> to vector<4x8x1024xf32>
      %sub3A_145 = arith.subf %get3A_10, %sub3A_144 : vector<4x8x1024xf32>
      %integer_pow3A_146 = arith.mulf %sub3A_145, %sub3A_145 : vector<4x8x1024xf32>
      %add3A_147 = arith.addf %add3A_143, %integer_pow3A_146 : vector<4x8x1024xf32>
      %min3A = arith.minimumf %scan3A_55, %add3A_147 : vector<4x8x1024xf32>
      %reduce_max3A = arith.constant dense<0xFF800000> : vector<4x8xf32>
      %reduce_max3A_148 = vector.multi_reduction <maximumf>, %min3A, %reduce_max3A [2] : vector<4x8x1024xf32> to vector<4x8xf32>
      %broadcast_in_dim3A_149 = vector.shape_cast %reduce_max3A_148 : vector<4x8xf32> to vector<4x8x1xf32>
      %reduce_max3A_150 = arith.constant dense<0xFF800000> : vector<4x1xf32>
      %reduce_max3A_151 = vector.multi_reduction <maximumf>, %broadcast_in_dim3A_149, %reduce_max3A_150 [1] : vector<4x8x1xf32> to vector<4x1xf32>
      %broadcast_in_dim3A_152 = vector.shape_cast %reduce_max3A_151 : vector<4x1xf32> to vector<4x1x1xf32>
      %eq3A_153 = vector.broadcast %broadcast_in_dim3A_152 : vector<4x1x1xf32> to vector<4x8x1024xf32>
      %eq3A_154 = arith.cmpf oeq, %min3A, %eq3A_153 : vector<4x8x1024xf32>
      %jit3A_155 = arith.constant 8192 : i32
      %broadcast_in_dim3A_156 = vector.broadcast %jit3A_155 : i32 to vector<4x8x1024xi32>
      %select_n3A_157 = arith.select %eq3A_154, %add3A, %broadcast_in_dim3A_156 : vector<4x8x1024xi1>, vector<4x8x1024xi32>
      %reduce_min3A = arith.constant dense<2147483647> : vector<4x8xi32>
      %reduce_min3A_158 = vector.multi_reduction <minsi>, %select_n3A_157, %reduce_min3A [2] : vector<4x8x1024xi32> to vector<4x8xi32>
      %broadcast_in_dim3A_159 = vector.shape_cast %reduce_min3A_158 : vector<4x8xi32> to vector<4x8x1xi32>
      %reduce_min3A_160 = arith.constant dense<2147483647> : vector<4x1xi32>
      %reduce_min3A_161 = vector.multi_reduction <minsi>, %broadcast_in_dim3A_159, %reduce_min3A_160 [1] : vector<4x8x1xi32> to vector<4x1xi32>
      %broadcast_in_dim3A_162 = vector.shape_cast %reduce_min3A_161 : vector<4x1xi32> to vector<4x1x1xi32>
      scf.yield %broadcast_in_dim3A_162, %min3A, %select_n3A_128, %select_n3A_131, %select_n3A_134, %select_n3A_137 : vector<4x1x1xi32>, vector<4x8x1024xf32>, vector<4x8x128xi32>, vector<4x8x128xf32>, vector<4x8x128xf32>, vector<4x8x128xf32>
    }
    %scan3A_28 = arith.constant 1024 : i32
    %swap3A = arith.constant 0 : index
    %swap3A_29 = arith.constant 0 : index
    %swap3A_30 = arith.constant 0 : index
    %swap3A_31 = vector.load %arg3[%swap3A, %swap3A_29, %swap3A_30] : memref<4x8x128xi32, #tpu.memory_space<vmem>>, vector<4x8x128xi32>
    tpu.vector_store %arg3[%swap3A, %swap3A_29, %swap3A_30], %scan3A_27#2 {strides = array<i32>} : memref<4x8x128xi32, #tpu.memory_space<vmem>>, vector<4x8x128xi32>,
    %swap3A_32 = arith.constant 0 : index
    %swap3A_33 = arith.constant 0 : index
    %swap3A_34 = arith.constant 0 : index
    %swap3A_35 = arith.constant 0 : index
    %swap3A_36 = vector.load %arg4[%swap3A_32, %swap3A_33, %swap3A_34, %swap3A_35] : memref<3x4x8x128xf32, #tpu.memory_space<vmem>>, vector<1x4x8x128xf32>
    %swap3A_37 = vector.shape_cast %swap3A_36 : vector<1x4x8x128xf32> to vector<4x8x128xf32>
    %swap3A_38 = vector.shape_cast %scan3A_27#3 : vector<4x8x128xf32> to vector<1x4x8x128xf32>
    tpu.vector_store %arg4[%swap3A_32, %swap3A_33, %swap3A_34, %swap3A_35], %swap3A_38 {strides = array<i32>} : memref<3x4x8x128xf32, #tpu.memory_space<vmem>>, vector<1x4x8x128xf32>,
    %swap3A_39 = arith.constant 1 : index
    %swap3A_40 = arith.constant 0 : index
    %swap3A_41 = arith.constant 0 : index
    %swap3A_42 = arith.constant 0 : index
    %swap3A_43 = vector.load %arg4[%swap3A_39, %swap3A_40, %swap3A_41, %swap3A_42] : memref<3x4x8x128xf32, #tpu.memory_space<vmem>>, vector<1x4x8x128xf32>
    %swap3A_44 = vector.shape_cast %swap3A_43 : vector<1x4x8x128xf32> to vector<4x8x128xf32>
    %swap3A_45 = vector.shape_cast %scan3A_27#4 : vector<4x8x128xf32> to vector<1x4x8x128xf32>
    tpu.vector_store %arg4[%swap3A_39, %swap3A_40, %swap3A_41, %swap3A_42], %swap3A_45 {strides = array<i32>} : memref<3x4x8x128xf32, #tpu.memory_space<vmem>>, vector<1x4x8x128xf32>,
    %swap3A_46 = arith.constant 2 : index
    %swap3A_47 = arith.constant 0 : index
    %swap3A_48 = arith.constant 0 : index
    %swap3A_49 = arith.constant 0 : index
    %swap3A_50 = vector.load %arg4[%swap3A_46, %swap3A_47, %swap3A_48, %swap3A_49] : memref<3x4x8x128xf32, #tpu.memory_space<vmem>>, vector<1x4x8x128xf32>
    %swap3A_51 = vector.shape_cast %swap3A_50 : vector<1x4x8x128xf32> to vector<4x8x128xf32>
    %swap3A_52 = vector.shape_cast %scan3A_27#5 : vector<4x8x128xf32> to vector<1x4x8x128xf32>
    tpu.vector_store %arg4[%swap3A_46, %swap3A_47, %swap3A_48, %swap3A_49], %swap3A_52 {strides = array<i32>} : memref<3x4x8x128xf32, #tpu.memory_space<vmem>>, vector<1x4x8x128xf32>,
    return
  }
}

module attributes {stable_mosaic.version = 14 : i64} {
  func.func @_bq_body(%arg0: i32, %arg1: i32, %arg2: memref<1x256x3xf32, #tpu.memory_space<vmem>>, %arg3: memref<1x1x8192xf32, #tpu.memory_space<vmem>>, %arg4: memref<1x1x8192xf32, #tpu.memory_space<vmem>>, %arg5: memref<1x1x8192xf32, #tpu.memory_space<vmem>>, %arg6: memref<1x256x32xi32, #tpu.memory_space<vmem>>, %arg7: memref<1x256x32xf32, #tpu.memory_space<vmem>>, %arg8: memref<256x8192xf32, #tpu.memory_space<vmem>>) attributes {dimension_semantics = [#tpu.dimension_semantics<arbitrary>, #tpu.dimension_semantics<arbitrary>], iteration_bounds = array<i64: 4, 4>, scalar_prefetch = 0 : i64, scratch_operands = 1 : i64, tpu.core_type = #tpu.core_type<tc>, window_params = [{transform_indices = @transform_0, window_bounds = array<i64: 1, 256, 3>}, {transform_indices = @transform_1, window_bounds = array<i64: 1, 1, 8192>}, {transform_indices = @transform_2, window_bounds = array<i64: 1, 1, 8192>}, {transform_indices = @transform_3, window_bounds = array<i64: 1, 1, 8192>}, {transform_indices = @transform_4, window_bounds = array<i64: 1, 256, 32>}, {transform_indices = @transform_5, window_bounds = array<i64: 1, 256, 32>}]} {
    %mul3A = arith.constant 8192 : i32
    %mul3A_0 = arith.muli %arg0, %mul3A : i32
    %get3A = arith.constant 0 : index
    %get3A_1 = arith.constant 0 : index
    %get3A_2 = arith.constant 0 : index
    %get3A_3 = vector.load %arg2[%get3A, %get3A_1, %get3A_2] : memref<1x256x3xf32, #tpu.memory_space<vmem>>, vector<1x256x3xf32>
    %get3A_4 = vector.shape_cast %get3A_3 : vector<1x256x3xf32> to vector<256x3xf32>
    %get3A_5 = arith.constant 0 : index
    %get3A_6 = arith.constant 0 : index
    %get3A_7 = arith.constant 0 : index
    %get3A_8 = vector.load %arg3[%get3A_5, %get3A_6, %get3A_7] : memref<1x1x8192xf32, #tpu.memory_space<vmem>>, vector<1x1x8192xf32>
    %get3A_9 = vector.shape_cast %get3A_8 : vector<1x1x8192xf32> to vector<1x8192xf32>
    %get3A_10 = arith.constant 0 : index
    %get3A_11 = arith.constant 0 : index
    %get3A_12 = arith.constant 0 : index
    %get3A_13 = vector.load %arg4[%get3A_10, %get3A_11, %get3A_12] : memref<1x1x8192xf32, #tpu.memory_space<vmem>>, vector<1x1x8192xf32>
    %get3A_14 = vector.shape_cast %get3A_13 : vector<1x1x8192xf32> to vector<1x8192xf32>
    %get3A_15 = arith.constant 0 : index
    %get3A_16 = arith.constant 0 : index
    %get3A_17 = arith.constant 0 : index
    %get3A_18 = vector.load %arg5[%get3A_15, %get3A_16, %get3A_17] : memref<1x1x8192xf32, #tpu.memory_space<vmem>>, vector<1x1x8192xf32>
    %get3A_19 = vector.shape_cast %get3A_18 : vector<1x1x8192xf32> to vector<1x8192xf32>
    %slice3A = vector.extract_strided_slice %get3A_4 {offsets = [0, 0], sizes = [256, 1], strides = [1, 1]} : vector<256x3xf32> to vector<256x1xf32>
    %sub3A = vector.broadcast %slice3A : vector<256x1xf32> to vector<256x8192xf32>
    %sub3A_20 = vector.broadcast %get3A_9 : vector<1x8192xf32> to vector<256x8192xf32>
    %sub3A_21 = arith.subf %sub3A, %sub3A_20 : vector<256x8192xf32>
    %integer_pow3A = arith.mulf %sub3A_21, %sub3A_21 : vector<256x8192xf32>
    %slice3A_22 = vector.extract_strided_slice %get3A_4 {offsets = [0, 1], sizes = [256, 1], strides = [1, 1]} : vector<256x3xf32> to vector<256x1xf32>
    %sub3A_23 = vector.broadcast %slice3A_22 : vector<256x1xf32> to vector<256x8192xf32>
    %sub3A_24 = vector.broadcast %get3A_14 : vector<1x8192xf32> to vector<256x8192xf32>
    %sub3A_25 = arith.subf %sub3A_23, %sub3A_24 : vector<256x8192xf32>
    %integer_pow3A_26 = arith.mulf %sub3A_25, %sub3A_25 : vector<256x8192xf32>
    %add3A = arith.addf %integer_pow3A, %integer_pow3A_26 : vector<256x8192xf32>
    %slice3A_27 = vector.extract_strided_slice %get3A_4 {offsets = [0, 2], sizes = [256, 1], strides = [1, 1]} : vector<256x3xf32> to vector<256x1xf32>
    %sub3A_28 = vector.broadcast %slice3A_27 : vector<256x1xf32> to vector<256x8192xf32>
    %sub3A_29 = vector.broadcast %get3A_19 : vector<1x8192xf32> to vector<256x8192xf32>
    %sub3A_30 = arith.subf %sub3A_28, %sub3A_29 : vector<256x8192xf32>
    %integer_pow3A_31 = arith.mulf %sub3A_30, %sub3A_30 : vector<256x8192xf32>
    %add3A_32 = arith.addf %add3A, %integer_pow3A_31 : vector<256x8192xf32>
    %lt3A = arith.constant 1.600000e-01 : f32
    %lt3A_33 = vector.broadcast %lt3A : f32 to vector<256x8192xf32>
    %lt3A_34 = arith.cmpf olt, %add3A_32, %lt3A_33 : vector<256x8192xf32>
    %jit3A = arith.constant 1.000000e+30 : f32
    %broadcast_in_dim3A = vector.broadcast %jit3A : f32 to vector<256x8192xf32>
    %select_n3A = arith.select %lt3A_34, %add3A_32, %broadcast_in_dim3A : vector<256x8192xi1>, vector<256x8192xf32>
    %swap3A = arith.constant 0 : index
    %swap3A_35 = arith.constant 0 : index
    %swap3A_36 = vector.load %arg8[%swap3A, %swap3A_35] : memref<256x8192xf32, #tpu.memory_space<vmem>>, vector<256x8192xf32>
    tpu.vector_store %arg8[%swap3A, %swap3A_35], %select_n3A {strides = array<i32>} : memref<256x8192xf32, #tpu.memory_space<vmem>>, vector<256x8192xf32>,
    %iota3A = tpu.iota {dimensions = array<i32: 1>} : vector<256x8192xi32>
    %iota3A_37 = tpu.iota {dimensions = array<i32: 1>} : vector<256x32xi32>
    %broadcast_in_dim3A_38 = arith.constant 0 : i32
    %broadcast_in_dim3A_39 = vector.broadcast %broadcast_in_dim3A_38 : i32 to vector<256x32xi32>
    %broadcast_in_dim3A_40 = arith.constant 0.000000e+00 : f32
    %broadcast_in_dim3A_41 = vector.broadcast %broadcast_in_dim3A_40 : f32 to vector<256x32xf32>
    %scan3A = arith.constant 0 : i32
    %scan3A_42 = arith.constant 32 : i32
    %scan3A_43 = arith.addi %scan3A, %scan3A_42 : i32
    %scan3A_44 = arith.constant 1 : i32
    %scan3A_45:2 = scf.for %scan3A_59 = %scan3A to %scan3A_43 step %scan3A_44 iter_args(%scan3A_60 = %broadcast_in_dim3A_39, %scan3A_61 = %broadcast_in_dim3A_41) -> (vector<256x32xi32>, vector<256x32xf32>)  : i32 {
      %get3A_62 = arith.constant 0 : index
      %get3A_63 = arith.constant 0 : index
      %get3A_64 = vector.load %arg8[%get3A_62, %get3A_63] : memref<256x8192xf32, #tpu.memory_space<vmem>>, vector<256x8192xf32>
      %reduce_min3A = arith.constant dense<0x7F800000> : vector<256xf32>
      %reduce_min3A_65 = vector.multi_reduction <minimumf>, %get3A_64, %reduce_min3A [1] : vector<256x8192xf32> to vector<256xf32>
      %broadcast_in_dim3A_66 = vector.shape_cast %reduce_min3A_65 : vector<256xf32> to vector<256x1xf32>
      %eq3A = vector.broadcast %broadcast_in_dim3A_66 : vector<256x1xf32> to vector<256x8192xf32>
      %eq3A_67 = arith.cmpf oeq, %get3A_64, %eq3A : vector<256x8192xf32>
      %jit3A_68 = arith.constant 8192 : i32
      %broadcast_in_dim3A_69 = vector.broadcast %jit3A_68 : i32 to vector<256x8192xi32>
      %select_n3A_70 = arith.select %eq3A_67, %iota3A, %broadcast_in_dim3A_69 : vector<256x8192xi1>, vector<256x8192xi32>
      %reduce_min3A_71 = arith.constant dense<2147483647> : vector<256xi32>
      %reduce_min3A_72 = vector.multi_reduction <minsi>, %select_n3A_70, %reduce_min3A_71 [1] : vector<256x8192xi32> to vector<256xi32>
      %broadcast_in_dim3A_73 = vector.shape_cast %reduce_min3A_72 : vector<256xi32> to vector<256x1xi32>
      %eq3A_74 = vector.broadcast %broadcast_in_dim3A_73 : vector<256x1xi32> to vector<256x8192xi32>
      %eq3A_75 = arith.cmpi eq, %iota3A, %eq3A_74 : vector<256x8192xi32>
      %jit3A_76 = arith.constant 1.000000e+30 : f32
      %broadcast_in_dim3A_77 = vector.broadcast %jit3A_76 : f32 to vector<256x8192xf32>
      %select_n3A_78 = arith.select %eq3A_75, %broadcast_in_dim3A_77, %get3A_64 : vector<256x8192xi1>, vector<256x8192xf32>
      %swap3A_79 = arith.constant 0 : index
      %swap3A_80 = arith.constant 0 : index
      %swap3A_81 = vector.load %arg8[%swap3A_79, %swap3A_80] : memref<256x8192xf32, #tpu.memory_space<vmem>>, vector<256x8192xf32>
      tpu.vector_store %arg8[%swap3A_79, %swap3A_80], %select_n3A_78 {strides = array<i32>} : memref<256x8192xf32, #tpu.memory_space<vmem>>, vector<256x8192xf32>,
      %eq3A_82 = vector.broadcast %scan3A_59 : i32 to vector<256x32xi32>
      %eq3A_83 = arith.cmpi eq, %iota3A_37, %eq3A_82 : vector<256x32xi32>
      %add3A_84 = vector.broadcast %mul3A_0 : i32 to vector<256x1xi32>
      %add3A_85 = arith.addi %broadcast_in_dim3A_73, %add3A_84 : vector<256x1xi32>
      %broadcast_in_dim3A_86 = vector.shape_cast %add3A_85 : vector<256x1xi32> to vector<256x1xi32>
      %broadcast_in_dim3A_87 = vector.broadcast %broadcast_in_dim3A_86 : vector<256x1xi32> to vector<256x32xi32>
      %select_n3A_88 = arith.select %eq3A_83, %broadcast_in_dim3A_87, %scan3A_60 : vector<256x32xi1>, vector<256x32xi32>
      %eq3A_89 = vector.broadcast %scan3A_59 : i32 to vector<256x32xi32>
      %eq3A_90 = arith.cmpi eq, %iota3A_37, %eq3A_89 : vector<256x32xi32>
      %lt3A_91 = arith.constant 1.000000e+29 : f32
      %lt3A_92 = vector.broadcast %lt3A_91 : f32 to vector<256x1xf32>
      %lt3A_93 = arith.cmpf olt, %broadcast_in_dim3A_66, %lt3A_92 : vector<256x1xf32>
      %convert_element_type3A = arith.extui %lt3A_93 : vector<256x1xi1> to vector<256x1xi32>
      %convert_element_type3A_94 = arith.sitofp %convert_element_type3A : vector<256x1xi32> to vector<256x1xf32>
      %broadcast_in_dim3A_95 = vector.shape_cast %convert_element_type3A_94 : vector<256x1xf32> to vector<256x1xf32>
      %broadcast_in_dim3A_96 = vector.broadcast %broadcast_in_dim3A_95 : vector<256x1xf32> to vector<256x32xf32>
      %select_n3A_97 = arith.select %eq3A_90, %broadcast_in_dim3A_96, %scan3A_61 : vector<256x32xi1>, vector<256x32xf32>
      scf.yield %select_n3A_88, %select_n3A_97 : vector<256x32xi32>, vector<256x32xf32>
    }
    %scan3A_46 = arith.constant 32 : i32
    %swap3A_47 = arith.constant 0 : index
    %swap3A_48 = arith.constant 0 : index
    %swap3A_49 = arith.constant 0 : index
    %swap3A_50 = vector.load %arg6[%swap3A_47, %swap3A_48, %swap3A_49] : memref<1x256x32xi32, #tpu.memory_space<vmem>>, vector<1x256x32xi32>
    %swap3A_51 = vector.shape_cast %swap3A_50 : vector<1x256x32xi32> to vector<256x32xi32>
    %swap3A_52 = vector.shape_cast %scan3A_45#0 : vector<256x32xi32> to vector<1x256x32xi32>
    tpu.vector_store %arg6[%swap3A_47, %swap3A_48, %swap3A_49], %swap3A_52 {strides = array<i32>} : memref<1x256x32xi32, #tpu.memory_space<vmem>>, vector<1x256x32xi32>,
    %swap3A_53 = arith.constant 0 : index
    %swap3A_54 = arith.constant 0 : index
    %swap3A_55 = arith.constant 0 : index
    %swap3A_56 = vector.load %arg7[%swap3A_53, %swap3A_54, %swap3A_55] : memref<1x256x32xf32, #tpu.memory_space<vmem>>, vector<1x256x32xf32>
    %swap3A_57 = vector.shape_cast %swap3A_56 : vector<1x256x32xf32> to vector<256x32xf32>
    %swap3A_58 = vector.shape_cast %scan3A_45#1 : vector<256x32xf32> to vector<1x256x32xf32>
    tpu.vector_store %arg7[%swap3A_53, %swap3A_54, %swap3A_55], %swap3A_58 {strides = array<i32>} : memref<1x256x32xf32, #tpu.memory_space<vmem>>, vector<1x256x32xf32>,
    return
  }
  func.func @transform_0(%arg0: i32, %arg1: i32) -> (i32, i32, i32) {
    %c0_i32 = arith.constant 0 : i32
    %c0_i32_0 = arith.constant 0 : i32
    return %arg0, %arg1, %c0_i32 : i32, i32, i32
  }
  func.func @transform_1(%arg0: i32, %arg1: i32) -> (i32, i32, i32) {
    %c0_i32 = arith.constant 0 : i32
    %c0_i32_0 = arith.constant 0 : i32
    %c0_i32_1 = arith.constant 0 : i32
    return %arg0, %c0_i32, %c0_i32_0 : i32, i32, i32
  }
  func.func @transform_2(%arg0: i32, %arg1: i32) -> (i32, i32, i32) {
    %c0_i32 = arith.constant 0 : i32
    %c0_i32_0 = arith.constant 0 : i32
    %c0_i32_1 = arith.constant 0 : i32
    return %arg0, %c0_i32, %c0_i32_0 : i32, i32, i32
  }
  func.func @transform_3(%arg0: i32, %arg1: i32) -> (i32, i32, i32) {
    %c0_i32 = arith.constant 0 : i32
    %c0_i32_0 = arith.constant 0 : i32
    %c0_i32_1 = arith.constant 0 : i32
    return %arg0, %c0_i32, %c0_i32_0 : i32, i32, i32
  }
  func.func @transform_4(%arg0: i32, %arg1: i32) -> (i32, i32, i32) {
    %c0_i32 = arith.constant 0 : i32
    %c0_i32_0 = arith.constant 0 : i32
    return %arg0, %arg1, %c0_i32 : i32, i32, i32
  }
  func.func @transform_5(%arg0: i32, %arg1: i32) -> (i32, i32, i32) {
    %c0_i32 = arith.constant 0 : i32
    %c0_i32_0 = arith.constant 0 : i32
    return %arg0, %arg1, %c0_i32 : i32, i32, i32
  }
}

module attributes {stable_mosaic.version = 14 : i64} {
  func.func @_g_body(%arg0: i32, %arg1: memref<512x128xf32, #tpu.memory_space<vmem>>, %arg2: memref<512x8xf32, #tpu.memory_space<vmem>>, %arg3: memref<128x128xf32, #tpu.memory_space<vmem>>, %arg4: memref<8x128xf32, #tpu.memory_space<vmem>>, %arg5: memref<1x128xf32, #tpu.memory_space<vmem>>, %arg6: memref<512x128xf32, #tpu.memory_space<vmem>>) attributes {dimension_semantics = [#tpu.dimension_semantics<arbitrary>], iteration_bounds = array<i64: 64>, scalar_prefetch = 0 : i64, scratch_operands = 0 : i64, tpu.core_type = #tpu.core_type<tc>, window_params = [{transform_indices = @transform_0, window_bounds = array<i64: 512, 128>}, {transform_indices = @transform_1, window_bounds = array<i64: 512, 8>}, {pipeline_mode = #tpu.pipeline_mode<synchronous>, transform_indices = @transform_2, window_bounds = array<i64: 128, 128>}, {pipeline_mode = #tpu.pipeline_mode<synchronous>, transform_indices = @transform_3, window_bounds = array<i64: 8, 128>}, {pipeline_mode = #tpu.pipeline_mode<synchronous>, transform_indices = @transform_4, window_bounds = array<i64: 1, 128>}, {transform_indices = @transform_5, window_bounds = array<i64: 512, 128>}]} {
    %get3A = arith.constant 0 : index
    %get3A_0 = arith.constant 0 : index
    %get3A_1 = vector.load %arg1[%get3A, %get3A_0] : memref<512x128xf32, #tpu.memory_space<vmem>>, vector<512x128xf32>
    %get3A_2 = arith.constant 0 : index
    %get3A_3 = arith.constant 0 : index
    %get3A_4 = vector.load %arg3[%get3A_2, %get3A_3] : memref<128x128xf32, #tpu.memory_space<vmem>>, vector<128x128xf32>
    %dot_general3A = arith.constant dense<0.000000e+00> : vector<512x128xf32>
    %dot_general3A_5 = tpu.matmul %get3A_1, %get3A_4, %dot_general3A {dimension_numbers = #tpu.dot_dimension_numbers<[1], [0], [0], [1], [0, 0, 1, 1], [], []>, transpose_lhs_hint = false} : vector<512x128xf32>, vector<128x128xf32>, vector<512x128xf32> -> vector<512x128xf32>
    %get3A_6 = arith.constant 0 : index
    %get3A_7 = arith.constant 0 : index
    %get3A_8 = vector.load %arg2[%get3A_6, %get3A_7] : memref<512x8xf32, #tpu.memory_space<vmem>>, vector<512x8xf32>
    %get3A_9 = arith.constant 0 : index
    %get3A_10 = arith.constant 0 : index
    %get3A_11 = vector.load %arg4[%get3A_9, %get3A_10] : memref<8x128xf32, #tpu.memory_space<vmem>>, vector<8x128xf32>
    %dot_general3A_12 = arith.constant dense<0.000000e+00> : vector<512x128xf32>
    %dot_general3A_13 = tpu.matmul %get3A_8, %get3A_11, %dot_general3A_12 {dimension_numbers = #tpu.dot_dimension_numbers<[1], [0], [0], [1], [0, 0, 1, 1], [], []>, transpose_lhs_hint = false} : vector<512x8xf32>, vector<8x128xf32>, vector<512x128xf32> -> vector<512x128xf32>
    %add3A = arith.addf %dot_general3A_5, %dot_general3A_13 : vector<512x128xf32>
    %get3A_14 = arith.constant 0 : index
    %get3A_15 = arith.constant 0 : index
    %get3A_16 = vector.load %arg5[%get3A_14, %get3A_15] : memref<1x128xf32, #tpu.memory_space<vmem>>, vector<1x128xf32>
    %add3A_17 = vector.broadcast %get3A_16 : vector<1x128xf32> to vector<512x128xf32>
    %add3A_18 = arith.addf %add3A, %add3A_17 : vector<512x128xf32>
    %swap3A = arith.constant 0 : index
    %swap3A_19 = arith.constant 0 : index
    %swap3A_20 = vector.load %arg6[%swap3A, %swap3A_19] : memref<512x128xf32, #tpu.memory_space<vmem>>, vector<512x128xf32>
    tpu.vector_store %arg6[%swap3A, %swap3A_19], %add3A_18 {strides = array<i32>} : memref<512x128xf32, #tpu.memory_space<vmem>>, vector<512x128xf32>,
    return
  }
  func.func @transform_0(%arg0: i32) -> (i32, i32) {
    %c0_i32 = arith.constant 0 : i32
    %c0_i32_0 = arith.constant 0 : i32
    return %arg0, %c0_i32 : i32, i32
  }
  func.func @transform_1(%arg0: i32) -> (i32, i32) {
    %c0_i32 = arith.constant 0 : i32
    %c0_i32_0 = arith.constant 0 : i32
    return %arg0, %c0_i32 : i32, i32
  }
  func.func @transform_2(%arg0: i32) -> (i32, i32) {
    %c0_i32 = arith.constant 0 : i32
    %c0_i32_0 = arith.constant 0 : i32
    %c0_i32_1 = arith.constant 0 : i32
    return %c0_i32, %c0_i32_0 : i32, i32
  }
  func.func @transform_3(%arg0: i32) -> (i32, i32) {
    %c0_i32 = arith.constant 0 : i32
    %c0_i32_0 = arith.constant 0 : i32
    %c0_i32_1 = arith.constant 0 : i32
    return %c0_i32, %c0_i32_0 : i32, i32
  }
  func.func @transform_4(%arg0: i32) -> (i32, i32) {
    %c0_i32 = arith.constant 0 : i32
    %c0_i32_0 = arith.constant 0 : i32
    %c0_i32_1 = arith.constant 0 : i32
    return %c0_i32, %c0_i32_0 : i32, i32
  }
  func.func @transform_5(%arg0: i32) -> (i32, i32) {
    %c0_i32 = arith.constant 0 : i32
    %c0_i32_0 = arith.constant 0 : i32
    return %arg0, %c0_i32 : i32, i32
  }
}

module attributes {stable_mosaic.version = 14 : i64} {
  func.func @_mlp_body(%arg0: i32, %arg1: memref<1024x128xf32, #tpu.memory_space<vmem>>, %arg2: memref<1x1x1024xf32, #tpu.memory_space<vmem>>, %arg3: memref<32x128xf32, #tpu.memory_space<vmem>>, %arg4: memref<32x3xf32, #tpu.memory_space<vmem>>, %arg5: memref<3x128xf32, #tpu.memory_space<vmem>>, %arg6: memref<128x256xf32, #tpu.memory_space<vmem>>, %arg7: memref<1x256xf32, #tpu.memory_space<vmem>>, %arg8: memref<256x512xf32, #tpu.memory_space<vmem>>, %arg9: memref<1x512xf32, #tpu.memory_space<vmem>>, %arg10: memref<128x64xf32, #tpu.memory_space<vmem>>, %arg11: memref<64x512xf32, #tpu.memory_space<vmem>>, %arg12: memref<32x512xf32, #tpu.memory_space<vmem>>) attributes {dimension_semantics = [#tpu.dimension_semantics<arbitrary>], iteration_bounds = array<i64: 128>, scalar_prefetch = 0 : i64, scratch_operands = 0 : i64, tpu.core_type = #tpu.core_type<tc>, window_params = [{transform_indices = @transform_0, window_bounds = array<i64: 1024, 128>}, {transform_indices = @transform_1, window_bounds = array<i64: 1, 1, 1024>}, {transform_indices = @transform_2, window_bounds = array<i64: 32, 128>}, {transform_indices = @transform_3, window_bounds = array<i64: 32, 3>}, {pipeline_mode = #tpu.pipeline_mode<synchronous>, transform_indices = @transform_4, window_bounds = array<i64: 3, 128>}, {pipeline_mode = #tpu.pipeline_mode<synchronous>, transform_indices = @transform_5, window_bounds = array<i64: 128, 256>}, {pipeline_mode = #tpu.pipeline_mode<synchronous>, transform_indices = @transform_6, window_bounds = array<i64: 1, 256>}, {pipeline_mode = #tpu.pipeline_mode<synchronous>, transform_indices = @transform_7, window_bounds = array<i64: 256, 512>}, {pipeline_mode = #tpu.pipeline_mode<synchronous>, transform_indices = @transform_8, window_bounds = array<i64: 1, 512>}, {pipeline_mode = #tpu.pipeline_mode<synchronous>, transform_indices = @transform_9, window_bounds = array<i64: 128, 64>}, {pipeline_mode = #tpu.pipeline_mode<synchronous>, transform_indices = @transform_10, window_bounds = array<i64: 64, 512>}, {transform_indices = @transform_11, window_bounds = array<i64: 32, 512>}]} {
    %get3A = arith.constant 0 : index
    %get3A_0 = arith.constant 0 : index
    %get3A_1 = vector.load %arg4[%get3A, %get3A_0] : memref<32x3xf32, #tpu.memory_space<vmem>>, vector<32x3xf32>
    %get3A_2 = arith.constant 0 : index
    %get3A_3 = arith.constant 0 : index
    %get3A_4 = vector.load %arg5[%get3A_2, %get3A_3] : memref<3x128xf32, #tpu.memory_space<vmem>>, vector<3x128xf32>
    %slice3A = vector.extract_strided_slice %get3A_1 {offsets = [0, 0], sizes = [32, 1], strides = [1, 1]} : vector<32x3xf32> to vector<32x1xf32>
    %slice3A_5 = vector.extract_strided_slice %get3A_4 {offsets = [0, 0], sizes = [1, 128], strides = [1, 1]} : vector<3x128xf32> to vector<1x128xf32>
    %mul3A = vector.broadcast %slice3A : vector<32x1xf32> to vector<32x128xf32>
    %mul3A_6 = vector.broadcast %slice3A_5 : vector<1x128xf32> to vector<32x128xf32>
    %mul3A_7 = arith.mulf %mul3A, %mul3A_6 : vector<32x128xf32>
    %slice3A_8 = vector.extract_strided_slice %get3A_1 {offsets = [0, 1], sizes = [32, 1], strides = [1, 1]} : vector<32x3xf32> to vector<32x1xf32>
    %slice3A_9 = vector.extract_strided_slice %get3A_4 {offsets = [1, 0], sizes = [1, 128], strides = [1, 1]} : vector<3x128xf32> to vector<1x128xf32>
    %mul3A_10 = vector.broadcast %slice3A_8 : vector<32x1xf32> to vector<32x128xf32>
    %mul3A_11 = vector.broadcast %slice3A_9 : vector<1x128xf32> to vector<32x128xf32>
    %mul3A_12 = arith.mulf %mul3A_10, %mul3A_11 : vector<32x128xf32>
    %add3A = arith.addf %mul3A_7, %mul3A_12 : vector<32x128xf32>
    %slice3A_13 = vector.extract_strided_slice %get3A_1 {offsets = [0, 2], sizes = [32, 1], strides = [1, 1]} : vector<32x3xf32> to vector<32x1xf32>
    %slice3A_14 = vector.extract_strided_slice %get3A_4 {offsets = [2, 0], sizes = [1, 128], strides = [1, 1]} : vector<3x128xf32> to vector<1x128xf32>
    %mul3A_15 = vector.broadcast %slice3A_13 : vector<32x1xf32> to vector<32x128xf32>
    %mul3A_16 = vector.broadcast %slice3A_14 : vector<1x128xf32> to vector<32x128xf32>
    %mul3A_17 = arith.mulf %mul3A_15, %mul3A_16 : vector<32x128xf32>
    %add3A_18 = arith.addf %add3A, %mul3A_17 : vector<32x128xf32>
    %iota3A = tpu.iota {dimensions = array<i32: 0>} : vector<1024x32xi32>
    %jit3A = arith.constant 32 : i32
    %div3A = vector.broadcast %jit3A : i32 to vector<1024x32xi32>
    %div3A_19 = arith.divsi %iota3A, %div3A : vector<1024x32xi32>
    %sign3A = arith.constant 0 : i32
    %sign3A_20 = vector.broadcast %sign3A : i32 to vector<1024x32xi32>
    %sign3A_21 = arith.cmpi sgt, %iota3A, %sign3A_20 : vector<1024x32xi32>
    %sign3A_22 = arith.extui %sign3A_21 : vector<1024x32xi1> to vector<1024x32xi32>
    %sign3A_23 = arith.constant 0 : i32
    %sign3A_24 = vector.broadcast %sign3A_23 : i32 to vector<1024x32xi32>
    %sign3A_25 = arith.cmpi slt, %iota3A, %sign3A_24 : vector<1024x32xi32>
    %sign3A_26 = arith.extui %sign3A_25 : vector<1024x32xi1> to vector<1024x32xi32>
    %sign3A_27 = arith.subi %sign3A_22, %sign3A_26 : vector<1024x32xi32>
    %sign3A_28 = arith.constant 0 : i32
    %sign3A_29 = arith.cmpi sgt, %jit3A, %sign3A_28 : i32
    %sign3A_30 = arith.extui %sign3A_29 : i1 to i32
    %sign3A_31 = arith.constant 0 : i32
    %sign3A_32 = arith.cmpi slt, %jit3A, %sign3A_31 : i32
    %sign3A_33 = arith.extui %sign3A_32 : i1 to i32
    %sign3A_34 = arith.subi %sign3A_30, %sign3A_33 : i32
    %ne3A = vector.broadcast %sign3A_34 : i32 to vector<1024x32xi32>
    %ne3A_35 = arith.cmpi ne, %sign3A_27, %ne3A : vector<1024x32xi32>
    %rem3A = vector.broadcast %jit3A : i32 to vector<1024x32xi32>
    %rem3A_36 = arith.remsi %iota3A, %rem3A : vector<1024x32xi32>
    %ne3A_37 = arith.constant 0 : i32
    %ne3A_38 = vector.broadcast %ne3A_37 : i32 to vector<1024x32xi32>
    %ne3A_39 = arith.cmpi ne, %rem3A_36, %ne3A_38 : vector<1024x32xi32>
    %and3A = arith.andi %ne3A_35, %ne3A_39 : vector<1024x32xi1>
    %sub3A = arith.constant 1 : i32
    %sub3A_40 = vector.broadcast %sub3A : i32 to vector<1024x32xi32>
    %sub3A_41 = arith.subi %div3A_19, %sub3A_40 : vector<1024x32xi32>
    %select_n3A = arith.select %and3A, %sub3A_41, %div3A_19 : vector<1024x32xi1>, vector<1024x32xi32>
    %iota3A_42 = tpu.iota {dimensions = array<i32: 1>} : vector<1024x32xi32>
    %eq3A = arith.cmpi eq, %select_n3A, %iota3A_42 : vector<1024x32xi32>
    %convert_element_type3A = arith.extui %eq3A : vector<1024x32xi1> to vector<1024x32xi32>
    %convert_element_type3A_43 = arith.sitofp %convert_element_type3A : vector<1024x32xi32> to vector<1024x32xf32>
    %dot_general3A = arith.constant dense<0.000000e+00> : vector<1024x128xf32>
    %dot_general3A_44 = tpu.matmul %convert_element_type3A_43, %add3A_18, %dot_general3A {dimension_numbers = #tpu.dot_dimension_numbers<[1], [0], [0], [1], [0, 0, 1, 1], [], []>, transpose_lhs_hint = false} : vector<1024x32xf32>, vector<32x128xf32>, vector<1024x128xf32> -> vector<1024x128xf32>
    %get3A_45 = arith.constant 0 : index
    %get3A_46 = arith.constant 0 : index
    %get3A_47 = vector.load %arg1[%get3A_45, %get3A_46] : memref<1024x128xf32, #tpu.memory_space<vmem>>, vector<1024x128xf32>
    %sub3A_48 = arith.subf %get3A_47, %dot_general3A_44 : vector<1024x128xf32>
    %max3A = arith.constant 0.000000e+00 : f32
    %max3A_49 = vector.broadcast %max3A : f32 to vector<1024x128xf32>
    %max3A_50 = arith.maximumf %sub3A_48, %max3A_49 : vector<1024x128xf32>
    %get3A_51 = arith.constant 0 : index
    %get3A_52 = arith.constant 0 : index
    %get3A_53 = vector.load %arg6[%get3A_51, %get3A_52] : memref<128x256xf32, #tpu.memory_space<vmem>>, vector<128x256xf32>
    %dot_general3A_54 = arith.constant dense<0.000000e+00> : vector<1024x256xf32>
    %dot_general3A_55 = tpu.matmul %max3A_50, %get3A_53, %dot_general3A_54 {dimension_numbers = #tpu.dot_dimension_numbers<[1], [0], [0], [1], [0, 0, 1, 1], [], []>, transpose_lhs_hint = false} : vector<1024x128xf32>, vector<128x256xf32>, vector<1024x256xf32> -> vector<1024x256xf32>
    %get3A_56 = arith.constant 0 : index
    %get3A_57 = arith.constant 0 : index
    %get3A_58 = vector.load %arg7[%get3A_56, %get3A_57] : memref<1x256xf32, #tpu.memory_space<vmem>>, vector<1x256xf32>
    %add3A_59 = vector.broadcast %get3A_58 : vector<1x256xf32> to vector<1024x256xf32>
    %add3A_60 = arith.addf %dot_general3A_55, %add3A_59 : vector<1024x256xf32>
    %max3A_61 = arith.constant 0.000000e+00 : f32
    %max3A_62 = vector.broadcast %max3A_61 : f32 to vector<1024x256xf32>
    %max3A_63 = arith.maximumf %add3A_60, %max3A_62 : vector<1024x256xf32>
    %get3A_64 = arith.constant 0 : index
    %get3A_65 = arith.constant 0 : index
    %get3A_66 = vector.load %arg8[%get3A_64, %get3A_65] : memref<256x512xf32, #tpu.memory_space<vmem>>, vector<256x512xf32>
    %dot_general3A_67 = arith.constant dense<0.000000e+00> : vector<1024x512xf32>
    %dot_general3A_68 = tpu.matmul %max3A_63, %get3A_66, %dot_general3A_67 {dimension_numbers = #tpu.dot_dimension_numbers<[1], [0], [0], [1], [0, 0, 1, 1], [], []>, transpose_lhs_hint = false} : vector<1024x256xf32>, vector<256x512xf32>, vector<1024x512xf32> -> vector<1024x512xf32>
    %get3A_69 = arith.constant 0 : index
    %get3A_70 = arith.constant 0 : index
    %get3A_71 = vector.load %arg9[%get3A_69, %get3A_70] : memref<1x512xf32, #tpu.memory_space<vmem>>, vector<1x512xf32>
    %add3A_72 = vector.broadcast %get3A_71 : vector<1x512xf32> to vector<1024x512xf32>
    %add3A_73 = arith.addf %dot_general3A_68, %add3A_72 : vector<1024x512xf32>
    %max3A_74 = arith.constant 0.000000e+00 : f32
    %max3A_75 = vector.broadcast %max3A_74 : f32 to vector<1024x512xf32>
    %max3A_76 = arith.maximumf %add3A_73, %max3A_75 : vector<1024x512xf32>
    %get3A_77 = arith.constant 0 : index
    %get3A_78 = arith.constant 0 : index
    %get3A_79 = vector.load %arg3[%get3A_77, %get3A_78] : memref<32x128xf32, #tpu.memory_space<vmem>>, vector<32x128xf32>
    %get3A_80 = arith.constant 0 : index
    %get3A_81 = arith.constant 0 : index
    %get3A_82 = vector.load %arg10[%get3A_80, %get3A_81] : memref<128x64xf32, #tpu.memory_space<vmem>>, vector<128x64xf32>
    %dot_general3A_83 = arith.constant dense<0.000000e+00> : vector<32x64xf32>
    %dot_general3A_84 = tpu.matmul %get3A_79, %get3A_82, %dot_general3A_83 {dimension_numbers = #tpu.dot_dimension_numbers<[1], [0], [0], [1], [0, 0, 1, 1], [], []>, transpose_lhs_hint = false} : vector<32x128xf32>, vector<128x64xf32>, vector<32x64xf32> -> vector<32x64xf32>
    %get3A_85 = arith.constant 0 : index
    %get3A_86 = arith.constant 0 : index
    %get3A_87 = vector.load %arg11[%get3A_85, %get3A_86] : memref<64x512xf32, #tpu.memory_space<vmem>>, vector<64x512xf32>
    %dot_general3A_88 = arith.constant dense<0.000000e+00> : vector<32x512xf32>
    %dot_general3A_89 = tpu.matmul %dot_general3A_84, %get3A_87, %dot_general3A_88 {dimension_numbers = #tpu.dot_dimension_numbers<[1], [0], [0], [1], [0, 0, 1, 1], [], []>, transpose_lhs_hint = false} : vector<32x64xf32>, vector<64x512xf32>, vector<32x512xf32> -> vector<32x512xf32>
    %dot_general3A_90 = arith.constant dense<0.000000e+00> : vector<32x1024xf32>
    %dot_general3A_91 = tpu.matmul %dot_general3A_89, %max3A_76, %dot_general3A_90 {dimension_numbers = #tpu.dot_dimension_numbers<[1], [1], [0], [0], [0, 0, 1, 0], [], []>, transpose_lhs_hint = false} : vector<32x512xf32>, vector<1024x512xf32>, vector<32x1024xf32> -> vector<32x1024xf32>
    %mul3A_92 = arith.constant 1.250000e-01 : f32
    %mul3A_93 = vector.broadcast %mul3A_92 : f32 to vector<32x1024xf32>
    %mul3A_94 = arith.mulf %dot_general3A_91, %mul3A_93 : vector<32x1024xf32>
    %iota3A_95 = tpu.iota {dimensions = array<i32: 1>} : vector<32x1024xi32>
    %jit3A_96 = arith.constant 32 : i32
    %div3A_97 = vector.broadcast %jit3A_96 : i32 to vector<32x1024xi32>
    %div3A_98 = arith.divsi %iota3A_95, %div3A_97 : vector<32x1024xi32>
    %sign3A_99 = arith.constant 0 : i32
    %sign3A_100 = vector.broadcast %sign3A_99 : i32 to vector<32x1024xi32>
    %sign3A_101 = arith.cmpi sgt, %iota3A_95, %sign3A_100 : vector<32x1024xi32>
    %sign3A_102 = arith.extui %sign3A_101 : vector<32x1024xi1> to vector<32x1024xi32>
    %sign3A_103 = arith.constant 0 : i32
    %sign3A_104 = vector.broadcast %sign3A_103 : i32 to vector<32x1024xi32>
    %sign3A_105 = arith.cmpi slt, %iota3A_95, %sign3A_104 : vector<32x1024xi32>
    %sign3A_106 = arith.extui %sign3A_105 : vector<32x1024xi1> to vector<32x1024xi32>
    %sign3A_107 = arith.subi %sign3A_102, %sign3A_106 : vector<32x1024xi32>
    %sign3A_108 = arith.constant 0 : i32
    %sign3A_109 = arith.cmpi sgt, %jit3A_96, %sign3A_108 : i32
    %sign3A_110 = arith.extui %sign3A_109 : i1 to i32
    %sign3A_111 = arith.constant 0 : i32
    %sign3A_112 = arith.cmpi slt, %jit3A_96, %sign3A_111 : i32
    %sign3A_113 = arith.extui %sign3A_112 : i1 to i32
    %sign3A_114 = arith.subi %sign3A_110, %sign3A_113 : i32
    %ne3A_115 = vector.broadcast %sign3A_114 : i32 to vector<32x1024xi32>
    %ne3A_116 = arith.cmpi ne, %sign3A_107, %ne3A_115 : vector<32x1024xi32>
    %rem3A_117 = vector.broadcast %jit3A_96 : i32 to vector<32x1024xi32>
    %rem3A_118 = arith.remsi %iota3A_95, %rem3A_117 : vector<32x1024xi32>
    %ne3A_119 = arith.constant 0 : i32
    %ne3A_120 = vector.broadcast %ne3A_119 : i32 to vector<32x1024xi32>
    %ne3A_121 = arith.cmpi ne, %rem3A_118, %ne3A_120 : vector<32x1024xi32>
    %and3A_122 = arith.andi %ne3A_116, %ne3A_121 : vector<32x1024xi1>
    %sub3A_123 = arith.constant 1 : i32
    %sub3A_124 = vector.broadcast %sub3A_123 : i32 to vector<32x1024xi32>
    %sub3A_125 = arith.subi %div3A_98, %sub3A_124 : vector<32x1024xi32>
    %select_n3A_126 = arith.select %and3A_122, %sub3A_125, %div3A_98 : vector<32x1024xi1>, vector<32x1024xi32>
    %iota3A_127 = tpu.iota {dimensions = array<i32: 0>} : vector<32x1024xi32>
    %get3A_128 = arith.constant 0 : index
    %get3A_129 = arith.constant 0 : index
    %get3A_130 = arith.constant 0 : index
    %get3A_131 = vector.load %arg2[%get3A_128, %get3A_129, %get3A_130] : memref<1x1x1024xf32, #tpu.memory_space<vmem>>, vector<1x1x1024xf32>
    %get3A_132 = vector.shape_cast %get3A_131 : vector<1x1x1024xf32> to vector<1x1024xf32>
    %eq3A_133 = arith.cmpi eq, %select_n3A_126, %iota3A_127 : vector<32x1024xi32>
    %gt3A = arith.constant 5.000000e-01 : f32
    %gt3A_134 = vector.broadcast %gt3A : f32 to vector<1x1024xf32>
    %gt3A_135 = arith.cmpf ogt, %get3A_132, %gt3A_134 : vector<1x1024xf32>
    %and3A_136 = vector.broadcast %gt3A_135 : vector<1x1024xi1> to vector<32x1024xi1>
    %and3A_137 = arith.andi %eq3A_133, %and3A_136 : vector<32x1024xi1>
    %jit3A_138 = arith.constant -1.000000e+09 : f32
    %broadcast_in_dim3A = vector.broadcast %jit3A_138 : f32 to vector<32x1024xf32>
    %select_n3A_139 = arith.select %and3A_137, %mul3A_94, %broadcast_in_dim3A : vector<32x1024xi1>, vector<32x1024xf32>
    %reduce_max3A = arith.constant dense<0xFF800000> : vector<32xf32>
    %reduce_max3A_140 = vector.multi_reduction <maximumf>, %select_n3A_139, %reduce_max3A [1] : vector<32x1024xf32> to vector<32xf32>
    %broadcast_in_dim3A_141 = vector.shape_cast %reduce_max3A_140 : vector<32xf32> to vector<32x1xf32>
    %sub3A_142 = vector.broadcast %broadcast_in_dim3A_141 : vector<32x1xf32> to vector<32x1024xf32>
    %sub3A_143 = arith.subf %select_n3A_139, %sub3A_142 : vector<32x1024xf32>
    %exp3A = math.exp %sub3A_143 : vector<32x1024xf32>
    %gt3A_144 = arith.constant -1.000000e+08 : f32
    %gt3A_145 = vector.broadcast %gt3A_144 : f32 to vector<32x1024xf32>
    %gt3A_146 = arith.cmpf ogt, %select_n3A_139, %gt3A_145 : vector<32x1024xf32>
    %jit3A_147 = arith.constant 0.000000e+00 : f32
    %broadcast_in_dim3A_148 = vector.broadcast %jit3A_147 : f32 to vector<32x1024xf32>
    %select_n3A_149 = arith.select %gt3A_146, %exp3A, %broadcast_in_dim3A_148 : vector<32x1024xi1>, vector<32x1024xf32>
    %reduce_sum3A = arith.constant dense<0.000000e+00> : vector<32xf32>
    %reduce_sum3A_150 = vector.multi_reduction <add>, %select_n3A_149, %reduce_sum3A [1] : vector<32x1024xf32> to vector<32xf32>
    %broadcast_in_dim3A_151 = vector.shape_cast %reduce_sum3A_150 : vector<32xf32> to vector<32x1xf32>
    %div3A_152 = vector.broadcast %broadcast_in_dim3A_151 : vector<32x1xf32> to vector<32x1024xf32>
    %div3A_153 = arith.divf %select_n3A_149, %div3A_152 : vector<32x1024xf32>
    %dot_general3A_154 = arith.constant dense<0.000000e+00> : vector<32x512xf32>
    %dot_general3A_155 = tpu.matmul %div3A_153, %max3A_76, %dot_general3A_154 {dimension_numbers = #tpu.dot_dimension_numbers<[1], [0], [0], [1], [0, 0, 1, 1], [], []>, transpose_lhs_hint = false} : vector<32x1024xf32>, vector<1024x512xf32>, vector<32x512xf32> -> vector<32x512xf32>
    %swap3A = arith.constant 0 : index
    %swap3A_156 = arith.constant 0 : index
    %swap3A_157 = vector.load %arg12[%swap3A, %swap3A_156] : memref<32x512xf32, #tpu.memory_space<vmem>>, vector<32x512xf32>
    tpu.vector_store %arg12[%swap3A, %swap3A_156], %dot_general3A_155 {strides = array<i32>} : memref<32x512xf32, #tpu.memory_space<vmem>>, vector<32x512xf32>,
    return
  }
  func.func @transform_0(%arg0: i32) -> (i32, i32) {
    %c0_i32 = arith.constant 0 : i32
    %c0_i32_0 = arith.constant 0 : i32
    return %arg0, %c0_i32 : i32, i32
  }
  func.func @transform_1(%arg0: i32) -> (i32, i32, i32) {
    %c0_i32 = arith.constant 0 : i32
    %c0_i32_0 = arith.constant 0 : i32
    %c0_i32_1 = arith.constant 0 : i32
    return %arg0, %c0_i32, %c0_i32_0 : i32, i32, i32
  }
  func.func @transform_2(%arg0: i32) -> (i32, i32) {
    %c0_i32 = arith.constant 0 : i32
    %c0_i32_0 = arith.constant 0 : i32
    return %arg0, %c0_i32 : i32, i32
  }
  func.func @transform_3(%arg0: i32) -> (i32, i32) {
    %c0_i32 = arith.constant 0 : i32
    %c0_i32_0 = arith.constant 0 : i32
    return %arg0, %c0_i32 : i32, i32
  }
  func.func @transform_4(%arg0: i32) -> (i32, i32) {
    %c0_i32 = arith.constant 0 : i32
    %c0_i32_0 = arith.constant 0 : i32
    %c0_i32_1 = arith.constant 0 : i32
    return %c0_i32, %c0_i32_0 : i32, i32
  }
  func.func @transform_5(%arg0: i32) -> (i32, i32) {
    %c0_i32 = arith.constant 0 : i32
    %c0_i32_0 = arith.constant 0 : i32
    %c0_i32_1 = arith.constant 0 : i32
    return %c0_i32, %c0_i32_0 : i32, i32
  }
  func.func @transform_6(%arg0: i32) -> (i32, i32) {
    %c0_i32 = arith.constant 0 : i32
    %c0_i32_0 = arith.constant 0 : i32
    %c0_i32_1 = arith.constant 0 : i32
    return %c0_i32, %c0_i32_0 : i32, i32
  }
  func.func @transform_7(%arg0: i32) -> (i32, i32) {
    %c0_i32 = arith.constant 0 : i32
    %c0_i32_0 = arith.constant 0 : i32
    %c0_i32_1 = arith.constant 0 : i32
    return %c0_i32, %c0_i32_0 : i32, i32
  }
  func.func @transform_8(%arg0: i32) -> (i32, i32) {
    %c0_i32 = arith.constant 0 : i32
    %c0_i32_0 = arith.constant 0 : i32
    %c0_i32_1 = arith.constant 0 : i32
    return %c0_i32, %c0_i32_0 : i32, i32
  }
  func.func @transform_9(%arg0: i32) -> (i32, i32) {
    %c0_i32 = arith.constant 0 : i32
    %c0_i32_0 = arith.constant 0 : i32
    %c0_i32_1 = arith.constant 0 : i32
    return %c0_i32, %c0_i32_0 : i32, i32
  }
  func.func @transform_10(%arg0: i32) -> (i32, i32) {
    %c0_i32 = arith.constant 0 : i32
    %c0_i32_0 = arith.constant 0 : i32
    %c0_i32_1 = arith.constant 0 : i32
    return %c0_i32, %c0_i32_0 : i32, i32
  }
  func.func @transform_11(%arg0: i32) -> (i32, i32) {
    %c0_i32 = arith.constant 0 : i32
    %c0_i32_0 = arith.constant 0 : i32
    return %arg0, %c0_i32 : i32, i32
  }
}

</mosaic_0001>

<sc_bundles>
// kernel: kernel.7.cloned.1.call-start
scs
__scs_entry_jumppad:
0x0: {  	(pc) =	sbr.rel $0x88, $3  }
0x1: {  	(tag) =	ssettag $0x0;
	lr =	simm.s32 $0x1  }
0x2: {  	[smem:$0x3F97] =	sst lr;
	_ =	strace $0xD0000000  }
0x3: {  	_ = 	snop  }
0x4: {  	_ = 	snop  }
0x5: {  	_ = 	snop  }
0x6: {  	_ = 	snop  }
0x7: {  	_ = 	snop  }
__scs_overlays_trampoline_lowered:
0x8: {  	[smem:$0x3FA6] =	sst s0  }
0x9: {  	[smem:$0x3FA7] =	sst s1  }
0xa: {  	[smem:$0x3FA8] =	sst s2  }
0xb: {  	[smem:$0x3FA9] =	sst s3  }
0xc: {  	[smem:$0x3FAA] =	sst s4  }
0xd: {  	[smem:$0x3FAB] =	sst s5  }
0xe: {  	[smem:$0x3FAC] =	sst s6  }
0xf: {  	[smem:$0x3FAD] =	sst s7  }
0x10: {  	[smem:$0x3FAE] =	sst s8  }
0x11: {  	[smem:$0x3FAF] =	sst s9;
	s0 =	simm.s32 @!p0 $0x0  }
0x12: {  	s1 =	sld [smem:$0x3F95];
	s0 =	simm.s32 @p0 $0x1  }
0x13: {  	[smem:$0x3FB0] =	sst s0;
	s0 =	simm.s32 @!p1 $0x0  }
0x14: {  	s2 =	sld [smem:$0x3F94];
	s0 =	simm.s32 @p1 $0x1  }
0x15: {  	[smem:$0x3FB1] =	sst s0;
	s0 =	simm.s32 @!p2 $0x0  }
0x16: {  	s3 =	sld [smem:$0x3FDB];
	s0 =	simm.s32 @p2 $0x1  }
0x17: {  	s4 =	simm.s32 $0x1BF5;
	[smem:$0x3FB3] =	sst s0  }
0x18: {  	s0 =	sld [smem:$0x3F96];
	_ =	swait.ge [sflag:s4], $0x0  }
0x19: {  	s7 =	sld [smem:$0x3F97]  }
0x1a: {  	s8 =	sadd.s32 $0xFFFFE003, lr  }
0x1b: {  	s9 =	sadd.s32 $0xFFFFFEF7, lr;
	s5 =	simm.s32 $0xFFFFFFFF;
	p2 =	slt.u32 s8, $0xFFFFF086  }
0x1c: {  	p1 =	slt.u32 s9, $0xF7A;
	s5 =	simm.s32 @!p2 $0x0  }
0x1d: {  	s5 =	simm.s32 @p1 $0x1;
	p0 =	seq.s32 s7, s2  }
0x1e: {  	s7 =	smul.u32 @!p0 $0xF7A, s2;
	p2 =	seq.s32 @!p0 s5, $0x0  }
0x1f: {  	s9 =	smul.u32 $0xF7A, s1;
	s8 =	simm.s32 @!p0 $0x1BF5;
	p2 =	por !p2, p0  }
0x20: {  	[sflag:s8] =	ssyncset.s32 @!p0 $0xFFFFF086;
	s6 =	sadd.s32 @!p0 s3, s7;
	s7 =	simm.s32 @!p0 $0x108  }
0x21: {  	s3 =	sadd.s32 s3, s9;
	s6 =	sadd.s32 @!p0 $0x88, s6;
	s7 =	simm.s32 @p2 $0x1082  }
0x22: {  	[simem:s7], [sflag:s8] =	dma.local @!p0 [hbm:s6], $0xF7A  }
0x23: {  	s9 =	sor.u32 $0xD0000000, s2;
	s6 =	simm.s32 $0x108;
	_ =	swait.ge @!p0 [sflag:s8], $0x0  }
0x24: {  	s3 =	sadd.s32 $0x88, s3;
	s6 =	simm.s32 @!p1 $0x1082;
	[sflag:s4] =	ssyncset.s32 $0xFFFFF086  }
0x25: {  	[simem:s6], [sflag:s4] =	dma.local [hbm:s3], $0xF7A  }
0x26: {  	[smem:$0x3F97] =	sst s1;
	(tag) =	ssettag s2;
	_ =	strace s9  }
0x27: {  	s1 =	sld [smem:$0x3FA7]  }
0x28: {  	s2 =	sld [smem:$0x3FA8]  }
0x29: {  	s4 =	sld [smem:$0x3FAA]  }
0x2a: {  	p0 =	seq.s32 s5, $0x0;
	s5 =	sld [smem:$0x3FAB]  }
0x2b: {  	s6 =	sld [smem:$0x3FAC]  }
0x2c: {  	s7 =	sld [smem:$0x3FAD]  }
0x2d: {  	s3 =	simm.s32 $0x108;
	s8 =	sld [smem:$0x3FAE]  }
0x2e: {  	s3 =	simm.s32 @!p0 $0x1082;
	s9 =	sld [smem:$0x3FAF]  }
0x2f: {  	lr =	sadd.s32 s0, s3;
	s0 =	sld [smem:$0x3FA6]  }
0x30: {  	s3 =	sld [smem:$0x3FA9]  }
0x31: {  	[smem:$0x3FB2] =	sst s10  }
0x32: {  	s10 =	sld [smem:$0x3FB0];
	_ =	sdelay $0x3  }
0x33: {  	p0 =	seq.s32 s10, $0x1;
	s10 =	sld [smem:$0x3FB2];
	_ =	sdelay $0x3  }
0x34: {  	[smem:$0x3FB2] =	sst s10  }
0x35: {  	s10 =	sld [smem:$0x3FB1];
	_ =	sdelay $0x3  }
0x36: {  	p1 =	seq.s32 s10, $0x1;
	s10 =	sld [smem:$0x3FB2];
	_ =	sdelay $0x3  }
0x37: {  	[smem:$0x3FB2] =	sst s10  }
0x38: {  	s10 =	sld [smem:$0x3FB3]  }
0x39: {  	_ = 	snop;
	(pc) =	sbr.ind lr, $3  }
0x3a: {  	_ = 	snop  }
0x3b: {  	_ = 	snop  }
0x3c: {  	p2 =	seq.s32 s10, $0x1;
	s10 =	sld [smem:$0x3FB2]  }
0x3d: {  	_ =	shalt  }
0x3e: {  	_ =	shalt  }
0x3f: {  	_ =	shalt  }
0x40: {  	_ =	shalt  }
0x41: {  	_ =	shalt  }
0x42: {  	_ =	shalt  }
0x43: {  	_ =	shalt  }
0x44: {  	_ =	shalt  }
0x45: {  	_ =	shalt  }
0x46: {  	_ =	shalt  }
0x47: {  	_ =	shalt  }
0x48: {  	_ =	shalt  }
0x49: {  	_ =	shalt  }
0x4a: {  	_ =	shalt  }
0x4b: {  	_ =	shalt  }
0x4c: {  	_ =	shalt  }
0x4d: {  	_ =	shalt  }
0x4e: {  	_ =	shalt  }
0x4f: {  	_ =	shalt  }
0x50: {  	_ =	shalt  }
0x51: {  	_ =	shalt  }
0x52: {  	_ =	shalt  }
0x53: {  	_ =	shalt  }
0x54: {  	_ =	shalt  }
0x55: {  	_ =	shalt  }
0x56: {  	_ =	shalt  }
0x57: {  	_ =	shalt  }
0x58: {  	_ =	shalt  }
0x59: {  	_ =	shalt  }
0x5a: {  	_ =	shalt  }
0x5b: {  	_ =	shalt  }
0x5c: {  	_ =	shalt  }
0x5d: {  	_ =	shalt  }
0x5e: {  	_ =	shalt  }
0x5f: {  	_ =	shalt  }
0x60: {  	_ =	shalt  }
0x61: {  	_ =	shalt  }
0x62: {  	_ =	shalt  }
0x63: {  	_ =	shalt  }
0x64: {  	_ =	shalt  }
0x65: {  	_ =	shalt  }
0x66: {  	_ =	shalt  }
0x67: {  	_ =	shalt  }
0x68: {  	_ =	shalt  }
0x69: {  	_ =	shalt  }
0x6a: {  	_ =	shalt  }
0x6b: {  	_ =	shalt  }
0x6c: {  	_ =	shalt  }
0x6d: {  	_ =	shalt  }
0x6e: {  	_ =	shalt  }
0x6f: {  	_ =	shalt  }
0x70: {  	_ =	shalt  }
0x71: {  	_ =	shalt  }
0x72: {  	_ =	shalt  }
0x73: {  	_ =	shalt  }
0x74: {  	_ =	shalt  }
0x75: {  	_ =	shalt  }
0x76: {  	_ =	shalt  }
0x77: {  	_ =	shalt  }
0x78: {  	_ =	shalt  }
0x79: {  	_ =	shalt  }
0x7a: {  	_ =	shalt  }
0x7b: {  	_ =	shalt  }
0x7c: {  	_ =	shalt  }
0x7d: {  	_ =	shalt  }
0x7e: {  	_ =	shalt  }
0x7f: {  	_ =	shalt  }
0x80: {  	_ =	shalt  }
0x81: {  	_ =	shalt  }
0x82: {  	_ =	shalt  }
0x83: {  	_ =	shalt  }
0x84: {  	_ =	shalt  }
0x85: {  	_ =	shalt  }
0x86: {  	_ =	shalt  }
0x87: {  	_ =	shalt  }
.Lfunc_end0:
.L_simem_size_0:
called_computation_lowered:
.L_overlay_start_0:
0x88: {  	s2 =	sld [smem:$0x3FD9]  }
0x89: {  	s3 =	sld [smem:$0x3FFE];
	_ =	sdelay $0x1  }
0x8a: {  	s1 =	srdreg.scid  }
0x8b: {  	s0 =	sand.u32 $0x1, s1  }
0x8c: {  	s14 =	sshll.u32 s0, $0xA;
	s2 =	sadd.s32 s3, s2  }
0x8d: {  	s2 =	sadd.s32 s2, s14  }
0x8e: {  	[smem:$0x3FBE] =	sst s2  }
0x8f: {  	_ = 	snop  }
0x90: {  	s2 =	sld [smem:$0x3FD0];
	_ =	sdelay $0x2  }
0x91: {  	s15 =	simm.s32 $0xA;
	s4 =	simm.s32 $0x10  }
0x92: {  	[smem:s4], [sflag:s15] =	dma.local [hbm:s2], $0x1  }
0x93: {  	_ =	swait.eq [sflag:s15], $0x1  }
0x94: {  	[sflag:s15] =	ssyncset.done $0x0  }
0x95: {  	[sflag:s15] =	ssyncadd.s32 $0xFFFFFFFF  }
0x96: {  	s16 =	sld [smem:$0x11];
	(tm) =	ssettm $0x1  }
0x97: {  	s17 =	sld [smem:$0x3FFB];
	_ =	sdelay $0x3  }
0x98: {  	_ =	strace s17  }
0x99: {  	s3 =	sld [smem:$0x3FFC];
	_ =	sdelay $0x3  }
0x9a: {  	_ =	strace s3  }
0x9b: {  	s3 =	sld [smem:$0x3FFD];
	_ =	sdelay $0x3  }
0x9c: {  	_ =	strace s3  }
0x9d: {  	_ =	strace $0x8FFFFFFF  }
0x9e: {  	s18 =	sld [smem:$0x3FDB];
	_ =	sdelay $0x1  }
0x9f: {  	s19 =	simm.s32 $_scs_section_size  }
0xa0: {  	s5 =	simm.s32 $_size__tile_overlayer_lowered;
	s6 =	simm.s32 $_tile_overlayer_lowered  }
0xa1: {  	s22 =	simm.s32 $0x1BFF;
	s21 =	sshll.u32 s6, $0x1;
	s3 =	sadd.s32 s19, s18  }
0xa2: {  	s7 =	simm.s32 $0x0;
	s20 =	sshll.u32 s5, $0x1;
	s5 =	sadd.s32 s21, s3  }
0xa3: {  	[timem:s7], [sflag:s22] =	dma.local [hbm:s5], s20  }
0xa4: {  	_ =	swait.ge [sflag:s22], s20  }
0xa5: {  	s4 =	ssub.s32 $0x0, s20;
	[sflag:s22] =	ssyncset.done $0x0  }
0xa6: {  	[sflag:s22] =	ssyncadd.s32 s4;
	_ =	sdelay $0x1  }
0xa7: {  	s23 =	simm.s32 $0x1B8B  }
0xa8: {  	_ =	swait.ge [sflag:s23], $0x1  }
0xa9: {  	[sflag:s23] =	ssyncset.done $0x0  }
0xaa: {  	s25 =	simm.s32 $0x1B8E;
	s24 =	sld [smem:$0x3FFE];
	[sflag:s23] =	ssyncadd.s32 $0xFFFFFFFF  }
0xab: {  	s26 =	simm.s32 $execute0_lowered;
	[smem:$0x3FD2] =	sst s25  }
0xac: {  	s5 =	sshll.u32 s26, $0x1;
	_ =	strace $0x80000046;
	[dreg:$0x1] =	wrdreg $0xFFFFFFFF  }
0xad: {  	s28 =	simm.s32 $_size_execute0_lowered;
	s3 =	sadd.s32 s3, s5;
	[dreg:$0x0] =	wrdreg $0x0  }
0xae: {  	s5 =	sshll.u32 s28, $0x1;
	[dreg:$0x2] =	wrdreg s3  }
0xaf: {  	[dreg:$0x3] =	wrdreg s5  }
0xb0: {  	[dreg:$0x4] =	wrdreg $0xC0  }
0xb1: {  	_ =	task [dreg:s7], $0x5FFFF  }
0xb2: {  	[dreg:$0x1] =	wrdreg $0xFFFFFFFF  }
0xb3: {  	[dreg:$0x0] =	wrdreg $0x60  }
0xb4: {  	[dreg:$0x2] =	wrdreg s24  }
0xb5: {  	[dreg:$0x3] =	wrdreg s16  }
0xb6: {  	[dreg:$0x4] =	wrdreg $0x9  }
0xb7: {  	_ =	task.clear_ibuf [dreg:s7], $0x5FFFF;
	_ =	strace $0x90000046  }
0xb8: {  	s29 =	simm.s32 $0x9;
	_ =	strace $0x80000048  }
0xb9: {  	_ =	swait.ge [sflag:s29], $0x1  }
0xba: {  	[sflag:s29] =	ssyncadd.s32 $0xFFFFFFFF  }
0xbb: {  	_ =	strace $0x90000048  }
0xbc: {  	_ =	sfence  }
0xbd: {  	s30 =	sld [smem:$0x0];
	_ =	sdelay $0x2  }
0xbe: {  	s31 =	sshll.u32 s1, $0xD;
	s1 =	sshrl.u32 s1, $0x2  }
0xbf: {  	s3 =	sand.u32 $0x4000, s31;
	s1 =	sadd.s32 s1, s30  }
0xc0: {  	s0 =	sor.u32 s3, s0;
	s1 =	sshll.u32 s1, $0x11  }
0xc1: {  	s0 =	sor.u32 s1, s0  }
0xc2: {  	s0 =	sadd.s32 $0x8F2B, s0  }
0xc3: {  	[sflag:s0] =	ssyncadd.remote.s32 $0x1  }
0xc4: {  	_ =	sfence.sel $0xFFFF  }
0xc5: {  	[dreg:$0x0] =	wrdreg $0xFFFFFFFF;
	(pc) =	sbr.abs _section_cstart, $3  }
0xc6: {  	[dreg:$0x1] =	wrdreg $0xFFFFFFFF  }
0xc7: {  	_ =	task.clear_ibuf [dreg:s7], $0x2FFFF;
	_ =	strace $0x9FFFFFFF  }
0xc8: {  	(tm) =	ssettm $0x7FFFFFFF  }
0xc9: {  	_ =	shalt  }
tec
execute0_lowered:
.L_overlay_start_1:
0x0: {  	(tag) =	ssettag $0x1  }
0x1: {  	s5 =	rddreg [dreg:$0x0]  }
0x2: {  	s6 =	rddreg [dreg:$0x1]  }
0x3: {  	s0 =	rddreg [dreg:$0x2];
	s3 =	srdreg.scid  }
0x4: {  	s2 =	simm.s32 $0x0;
	s1 =	stileid.u32;
	s7 =	sand.u32 $0x1, s3  }
0x5: {  	[smem:$0x7FF] =	sst s2;
	s4 =	sshll.u32 s1, $0xD;
	s3 =	sadd.s32 $0x3400, s5  }
0x6: {  	s9 =	sshll.u32 s1, $0x1;
	s12 =	sshll.u32 s1, $0x11;
	s8 =	sshll.u32 s7, $0xC  }
0x7: {  	_ =	strace $0x80000047;
	s28 =	sor.u32 s7, s9;
	s29 =	ssub.s32 $0x2, s7  }
0x8: {  	s12 =	sadd.s32 s12, s5;
	s30 =	sshll.u32 s7, $0x10;
	s8 =	sor.u32 s8, s4  }
0x9: {  	s4 =	sadd.s32 $0x87600, s5;
	s11 =	sshll.u32 s28, $0x4;
	s13 =	sshrl.u32 s29, $0x1  }
0xa: {  	s31 =	sadd.s32 s30, s12;
	s12 =	simm.s32 $0x1;
	s8 =	sshrl.u32 s8, $0x3  }
0xb: {  	s11 =	sadd.s32 s11, s5;
	s9 =	ssub.s32 s29, s13;
	s13 =	simm.s32 $0x0  }
0xc: {  	s10 =	sadd.s32 s8, s5;
	s5 =	sadd.s32 $0x83400, s11;
	s8 =	sshll.u32 s28, $0xB  }
0xd: {  	s7 =	smax.u32 s9, $0x1;
	s11 =	simm.s32 $0x80;
	s6 =	sadd.s32 s6, s8  }
0xe: {  	s8 =	sadd.s32 $0x107600, s31;
	s9 =	sadd.s32 $0x83600, s10;
	s10 =	simm.s32 $0x2  }
.LBB2_1:
0xf: {  	s14 =	sadd.s32 $0x0, s9  }
0x10: {  	[tilespmem:s2], [sflag:$0x2] =	stream.linear.gather [hbm4b:s14+s2], $0x80, $0x38;
	[tilespmem:$0x4080] =	vst v63  }
0x11: {  	_ =	swait.ge [sflag:s10], $0x80  }
0x12: {  	[sflag:s10] =	ssyncset.done $0x0  }
0x13: {  	[sflag:s10] =	ssyncadd.s32 $0xFFFFFF80  }
0x14: {  	[tilespmem:s11], [sflag:$0x1] =	stream.indirect.gather [hbm4b:s3+s11], $0x80, s2, s11, $0xb8;
	[tilespmem:$0x4080] =	vst v63  }
0x15: {  	_ =	swait.ge [sflag:s12], $0x4000  }
0x16: {  	[sflag:s12] =	ssyncset.done $0x0  }
0x17: {  	[sflag:s12] =	ssyncadd.s32 $0xFFFFC000  }
0x18: {  	[hbm4b:s8+s2] =	stream.linear.scatter [tilespmem:s11], [sflag:$0x2], $0x4000, $0x38;
	[tilespmem:$0x4080] =	vst v63  }
0x19: {  	s15 =	simm.s32 $0x10;
	_ =	swait.ge [sflag:s10], $0x4000  }
0x1a: {  	s16 =	simm.s32 $0x20;
	s14 =	sadd.s32 $0x800, s8;
	[sflag:s10] =	ssyncset.done $0x0  }
.LBB2_2:
0x1b: {  	s17 =	sadd.s32 s15, s9  }
0x1c: {  	[sflag:s10] =	ssyncadd.s32 $0xFFFFC000;
	s15 =	smov.u32 s16;
	s18 =	sadd.s32 $0x10, s16  }
0x1d: {  	[tilespmem:s2], [sflag:$0x2] =	stream.linear.gather [hbm4b:s17+s2], $0x80, $0x38;
	[tilespmem:$0x4080] =	vst v63  }
0x1e: {  	p0 =	sne.s32 s16, $0x1F0;
	_ =	swait.ge [sflag:s10], $0x80  }
0x1f: {  	[sflag:s10] =	ssyncset.done $0x0  }
0x20: {  	[sflag:s10] =	ssyncadd.s32 $0xFFFFFF80  }
0x21: {  	[tilespmem:s11], [sflag:$0x1] =	stream.indirect.gather [hbm4b:s3+s11], $0x80, s2, s11, $0xb8;
	[tilespmem:$0x4080] =	vst v63  }
0x22: {  	_ =	swait.ge [sflag:s12], $0x4000  }
.Ltmp0:
0x23: {  	[sflag:s12] =	ssyncset.done $0x0;
	(pc) =	sbr.rel @p0 .LBB2_2-.Ltmp0, $4  }
0x24: {  	[sflag:s12] =	ssyncadd.s32 $0xFFFFC000  }
0x25: {  	[hbm4b:s14+s2] =	stream.linear.scatter [tilespmem:s11], [sflag:$0x2], $0x4000, $0x38;
	[tilespmem:$0x4080] =	vst v63  }
0x26: {  	_ =	swait.ge [sflag:s10], $0x4000  }
0x27: {  	s16 =	smov.u32 s18;
	s14 =	sadd.s32 $0x800, s14;
	[sflag:s10] =	ssyncset.done $0x0  }
0x28: {  	s15 =	sadd.s32 s15, s9;
	[sflag:s10] =	ssyncadd.s32 $0xFFFFC000  }
0x29: {  	[tilespmem:s2], [sflag:$0x2] =	stream.linear.gather [hbm4b:s15+s2], $0x80, $0x38;
	[tilespmem:$0x4080] =	vst v63  }
0x2a: {  	_ =	swait.ge [sflag:s10], $0x80  }
0x2b: {  	[sflag:s10] =	ssyncset.done $0x0  }
0x2c: {  	[sflag:s10] =	ssyncadd.s32 $0xFFFFFF80  }
0x2d: {  	[tilespmem:s11], [sflag:$0x1] =	stream.indirect.gather [hbm4b:s3+s11], $0x80, s2, s11, $0xb8;
	[tilespmem:$0x4080] =	vst v63  }
0x2e: {  	_ =	swait.ge [sflag:s12], $0x4000  }
0x2f: {  	[sflag:s12] =	ssyncset.done $0x0  }
0x30: {  	[sflag:s12] =	ssyncadd.s32 $0xFFFFC000  }
0x31: {  	[hbm4b:s14+s2] =	stream.linear.scatter [tilespmem:s11], [sflag:$0x2], $0x4000, $0x38;
	[tilespmem:$0x4080] =	vst v63  }
0x32: {  	_ =	swait.ge [sflag:s10], $0x4000  }
0x33: {  	[sflag:s10] =	ssyncset.done $0x0  }
0x34: {  	[sflag:s10] =	ssyncadd.s32 $0xFFFFC000  }
0x35: {  	[tilespmem:s2], [sflag:$0x2] =	stream.linear.gather [hbm4b:s5+s2], $0x80, $0x38;
	[tilespmem:$0x4080] =	vst v63  }
0x36: {  	_ =	swait.ge [sflag:s10], $0x80  }
0x37: {  	[sflag:s10] =	ssyncset.done $0x0  }
0x38: {  	[sflag:s10] =	ssyncadd.s32 $0xFFFFFF80  }
0x39: {  	[tilespmem:s11], [sflag:$0x1] =	stream.indirect.gather [hbm4b:s4+s11], $0x80, s2, s11, $0xb8;
	[tilespmem:$0x4080] =	vst v63  }
0x3a: {  	s13 =	sadd.s32 $0x1, s13;
	_ =	swait.ge [sflag:s12], $0x4000  }
0x3b: {  	p0 =	sne.s32 s13, s7;
	[sflag:s12] =	ssyncset.done $0x0  }
.Ltmp1:
0x3c: {  	[sflag:s12] =	ssyncadd.s32 $0xFFFFC000;
	(pc) =	sbr.rel @p0 .LBB2_1-.Ltmp1, $4  }
0x3d: {  	[hbm4b:s6+s2] =	stream.linear.scatter [tilespmem:s11], [sflag:$0x2], $0x4000, $0x38;
	[tilespmem:$0x4080] =	vst v63  }
0x3e: {  	_ =	swait.ge [sflag:s10], $0x4000  }
0x3f: {  	[sflag:s10] =	ssyncset.done $0x0  }
0x40: {  	[sflag:s10] =	ssyncadd.s32 $0xFFFFC000  }
0x41: {  	_ =	sfence.sel $0x180000  }
0x42: {  	[bflag:$0x0] =	sbarrier.arrive $0xFFFF  }
0x43: {  	p0 =	sne.s32 s1, $0x0;
	_ =	strace $0x90000047  }
0x44: {  	s0 =	sadd.s32 @!p0 $0x100000, s0;
	[bflag:$0x2] =	sbarrier.arrive $0xFFFF  }
0x45: {  	[sflag:s0] =	ssyncadd.tile.s32 @!p0 $0x1;
	_ =	shalt  }
.Lfunc_end2:
_tile_overlayer_lowered:
.L_overlay_start_2:
0x46: {  	(tag) =	ssettag $0x2  }
0x47: {  	s0 =	rddreg [dreg:$0x0];
	s2 =	stileid.u32  }
0x48: {  	s1 =	rddreg [dreg:$0x1];
	p0 =	sne.s32 s2, $0x0  }
0x49: {  	s3 =	rddreg [dreg:$0x2];
	[bflag:$0x3] =	sbarrier.arrive $0xFFFF;
	s2 =	simm.s32 @!p0 $0x1C02  }
0x4a: {  	[timem:s3], [sflag:s2] =	dma.local @!p0 [hbm:s0], s1  }
0x4b: {  	s0 =	simm.s32 @!p0 $0x2  }
0x4c: {  	_ =	swait.ge @!p0 [sflag:s0], s1  }
0x4d: {  	s1 =	ssub.s32 @!p0 $0x0, s1;
	[sflag:s0] =	ssyncset.done @!p0 $0x0  }
0x4e: {  	[sflag:s0] =	ssyncadd.s32 @!p0 s1  }
0x4f: {  	[bflag:$0x3] =	sbarrier.arrive $0xFFFF  }
0x50: {  	_ =	shalt  }

</sc_bundles>
